<compile_context>
chip_gen: v7x
topology: tpu7x:2x2x1
jax: 0.10.2.dev20260603
libtpu: 0.0.44.dev20260713+nightly
codegen_flags: <defaults>
</compile_context>

<pallas_src>
import functools

import jax
import jax.numpy as jnp
from jax import lax
from jax.experimental import pallas as pl
from jax.experimental.pallas import tpu as pltpu
from jax.experimental.pallas import tpu_sc as plsc

_B, _BAG, _L = 1024, 4, 50
_V, _D = 1000000, 64
_MD, _H = 128, 128
_S = _B * _BAG
_NC, _NS = 2, 16
_NW = _NC * _NS
_SW = _S // _NW
def _embed_sum(table_w, sent_t):
    mesh = plsc.VectorSubcoreMesh(core_axis_name="c", subcore_axis_name="s")

    @functools.partial(
        pl.kernel, mesh=mesh,
        out_type=jax.ShapeDtypeStruct((_S, 2 * _D), jnp.float32),
        scratch_types=[
            pltpu.VMEM((_L, _SW), jnp.int32),
            pltpu.VMEM((_SW, 2 * _D), jnp.float32),
            pltpu.VMEM((_SW, 2 * _D), jnp.float32),
            pltpu.SemaphoreType.DMA,
        ],
    )
    def k(table_hbm, sent_hbm, out_hbm, idx_v, acc_v, acc2_v, sem):
        cid = lax.axis_index("c")
        sid = lax.axis_index("s")
        wid = sid * _NC + cid

        pltpu.sync_copy(sent_hbm.at[wid], idx_v)

        zeros = jnp.zeros((16,), jnp.float32)

        def zbody(i, carry):
            for j in range(2 * _D // 16):
                acc_v[i, pl.ds(j * 16, 16)] = zeros
                acc2_v[i, pl.ds(j * 16, 16)] = zeros
            return carry
        lax.fori_loop(0, _SW, zbody, 0)

        copies = [
            pltpu.async_copy(table_hbm.at[idx_v.at[j]],
                             acc_v if j % 2 == 0 else acc2_v, sem, add=True)
            for j in range(_L)
        ]
        for c in copies:
            c.wait()

        def cbody(i, carry):
            for j in range(2 * _D // 16):
                acc_v[i, pl.ds(j * 16, 16)] += acc2_v[i, pl.ds(j * 16, 16)]
            return carry
        lax.fori_loop(0, _SW, cbody, 0)

        pltpu.sync_copy(acc_v, out_hbm.at[pl.ds(wid * _SW, _SW)])

    return k(table_w, sent_t)


def _mlp_body(bag_ref, mr_ref, w1a_ref, w1b_ref, b1_ref, w2_ref, b2_ref,
              o_ref):
    h = jnp.dot(bag_ref[:, :_D], w1a_ref[...],
                preferred_element_type=jnp.float32)
    h = h + jnp.dot(mr_ref[...], w1b_ref[...],
                    preferred_element_type=jnp.float32)
    h = jnp.maximum(h + b1_ref[...], 0.0)
    o = jnp.dot(h, w2_ref[...], preferred_element_type=jnp.float32)
    o_ref[...] = jnp.maximum(o + b2_ref[...], 0.0)


def _mlp(bag, mr, w1a, w1b, b1, w2, b2):
    R = 512
    return pl.pallas_call(
        _mlp_body,
        grid=(_S // R,),
        in_specs=[
            pl.BlockSpec((R, 2 * _D), lambda i: (i, 0)),
            pl.BlockSpec((R, _MD), lambda i: (i, 0)),
            pl.BlockSpec((_D, 2 * _H), lambda i: (0, 0)),
            pl.BlockSpec((_MD, 2 * _H), lambda i: (0, 0)),
            pl.BlockSpec((1, 2 * _H), lambda i: (0, 0)),
            pl.BlockSpec((2 * _H, _H), lambda i: (0, 0)),
            pl.BlockSpec((1, _H), lambda i: (0, 0)),
        ],
        out_specs=pl.BlockSpec((R, _H), lambda i: (i, 0)),
        out_shape=jax.ShapeDtypeStruct((_S, _H), jnp.float32),
    )(bag, mr, w1a, w1b, b1, w2, b2)


def kernel(sentences, mention_rep, table, W1, b1, W2, b2):
    table_w = jnp.pad(table, ((0, 0), (0, _D)))
    sent_t = sentences.reshape(_NW, _SW, _L).transpose(0, 2, 1)
    bag_sum = _embed_sum(table_w, sent_t)
    w1a = W1[:_D] * jnp.float32(1.0 / _L)
    w1b = W1[_D:]
    mr = mention_rep.reshape(_S, _MD)
    return _mlp(bag_sum, mr, w1a, w1b, b1.reshape(1, 2 * _H), W2,
                b2.reshape(1, _H))

# --- scband reference (transcript-rebuilt; emitter-appended) ---
"""Pipeline reference for scband-mlpencoder-21638045237571 (READ-ONLY COPY).

The authoritative reference and input builder live on the scoring server;
editing this copy changes nothing except your own understanding.
"""

import jax, jax.numpy as jnp
import numpy as np

B, BAG, L = 1024, 4, 50
V, D = 1000000, 64
MD, H = 128, 128


def setup_inputs(seed: int = 0) -> dict:
    key = jax.random.key(seed)
    ks = jax.random.split(key, 8)
    sentences = jax.random.randint(ks[0], (B, BAG, L), 0, V, dtype=jnp.int64 if jax.config.jax_enable_x64 else jnp.int32).astype(jnp.int32)
    mention_rep = jax.random.normal(ks[1], (B, BAG, MD), dtype=jnp.float32)
    # frozen pretrained embedding table (requires_grad=False in torch)
    table = jax.random.normal(ks[2], (V, D), dtype=jnp.float32) * 0.02
    W1 = jax.random.normal(ks[3], (MD + D, 2 * H), dtype=jnp.float32) * 0.05
    b1 = jnp.zeros((2 * H,), dtype=jnp.float32)
    W2 = jax.random.normal(ks[4], (2 * H, H), dtype=jnp.float32) * 0.05
    b2 = jnp.zeros((H,), dtype=jnp.float32)
    return {"sentences": sentences, "mention_rep": mention_rep, "table": table,
            "W1": W1, "b1": b1, "W2": W2, "b2": b2}


def reference(sentences, mention_rep, table, W1, b1, W2, b2):
    b, bag, slen = sentences.shape
    # vectorized equivalent of the per-sentence embedding + mean loop
    emb = jnp.take(table, sentences.reshape(-1), axis=0)          # [B*BAG*L, D]
    emb = emb.reshape(b * bag, slen, -1)
    embed_bag = jnp.mean(emb, axis=1)                              # [B*BAG, D]
    mr = mention_rep.reshape(b * bag, -1)                          # [B*BAG, MD]
    h = jnp.concatenate([embed_bag, mr], axis=1).astype(jnp.float32)
    h = jax.nn.relu(h @ W1 + b1)
    # dropout(p=0.5) is identity in eval mode
    out = jax.nn.relu(h @ W2 + b2)
    return out

if __name__ == "__main__":
    import jax
    _d = setup_inputs()
    print(jax.jit(kernel)(*tuple(_d.values())))

</pallas_src>

<mosaic_0001>
#map = affine_map<(d0, d1) -> (0, 0)>
#map1 = affine_map<(d0, d1) -> (0, 0, 0)>
module attributes {stable_mosaic.version = 14 : i64} {
  func.func @k(%arg0: i32, %arg1: i32, %arg2: memref<1000000x128xf32, #tpu.memory_space<hbm>>, %arg3: memref<32x50x128xi32, #tpu.memory_space<hbm>>, %arg4: memref<4096x128xf32, #tpu.memory_space<hbm>>, %arg5: memref<50x128xi32, #tpu.memory_space<vmem>>, %arg6: memref<128x128xf32, #tpu.memory_space<vmem>>, %arg7: memref<128x128xf32, #tpu.memory_space<vmem>>, %arg8: memref<!tpu.dma_semaphore, #tpu.memory_space<semaphore_mem>>) attributes {dimension_semantics = [#tpu.dimension_semantics<core_parallel>, #tpu.dimension_semantics<subcore_parallel>], iteration_bounds = array<i64: 2, 16>, scalar_prefetch = 0 : i64, scratch_operands = 4 : i64, tpu.core_type = #tpu.core_type<sc_vector_subcore>, window_params = [{transform_indices = #map}, {transform_indices = #map1}, {transform_indices = #map}]} {
    %mul3A = arith.constant 2 : i32
    %mul3A_0 = arith.muli %arg1, %mul3A : i32
    %add3A = arith.addi %mul3A_0, %arg0 : i32
    "tpu.region"() ({
      %run_scoped3A = tpu.sem_alloc : memref<!tpu.dma_semaphore, #tpu.memory_space<semaphore_mem>>
      %dma_start3A_713 = arith.constant 0 : i32
      %dma_start3A_714 = arith.constant 0 : i32
      %dma_start3A_715 = tpu.memref_slice %arg3[%add3A, %dma_start3A_713, %dma_start3A_714] : memref<32x50x128xi32, #tpu.memory_space<hbm>> -> memref<1x50x128xi32, #tpu.memory_space<hbm>>
      %dma_start3A_716 = tpu.memref_squeeze %dma_start3A_715 : memref<1x50x128xi32, #tpu.memory_space<hbm>> -> memref<50x128xi32, #tpu.memory_space<hbm>>
      %dma_start3A_717 = arith.constant 0 : i32
      %dma_start3A_718 = arith.constant 0 : i32
      %dma_start3A_719 = tpu.memref_slice %arg3[%add3A, %dma_start3A_717, %dma_start3A_718] : memref<32x50x128xi32, #tpu.memory_space<hbm>> -> memref<1x50x128xi32, #tpu.memory_space<hbm>>
      %dma_start3A_720 = tpu.memref_squeeze %dma_start3A_719 : memref<1x50x128xi32, #tpu.memory_space<hbm>> -> memref<50x128xi32, #tpu.memory_space<hbm>>
      tpu.enqueue_dma source(%dma_start3A_720 : memref<50x128xi32, #tpu.memory_space<hbm>>) target(%arg5 : memref<50x128xi32, #tpu.memory_space<vmem>>) target_semaphore(%run_scoped3A : memref<!tpu.dma_semaphore, #tpu.memory_space<semaphore_mem>>)
      %dma_wait3A_721 = arith.constant 0 : i32
      %dma_wait3A_722 = arith.constant 0 : i32
      %dma_wait3A_723 = tpu.memref_slice %arg3[%add3A, %dma_wait3A_721, %dma_wait3A_722] : memref<32x50x128xi32, #tpu.memory_space<hbm>> -> memref<1x50x128xi32, #tpu.memory_space<hbm>>
      %dma_wait3A_724 = tpu.memref_squeeze %dma_wait3A_723 : memref<1x50x128xi32, #tpu.memory_space<hbm>> -> memref<50x128xi32, #tpu.memory_space<hbm>>
      %dma_wait3A_725 = arith.constant 0 : i32
      %dma_wait3A_726 = arith.constant 0 : i32
      %dma_wait3A_727 = tpu.memref_slice %arg3[%add3A, %dma_wait3A_725, %dma_wait3A_726] : memref<32x50x128xi32, #tpu.memory_space<hbm>> -> memref<1x50x128xi32, #tpu.memory_space<hbm>>
      %dma_wait3A_728 = tpu.memref_squeeze %dma_wait3A_727 : memref<1x50x128xi32, #tpu.memory_space<hbm>> -> memref<50x128xi32, #tpu.memory_space<hbm>>
      tpu.wait_dma2 semaphore(%run_scoped3A : memref<!tpu.dma_semaphore, #tpu.memory_space<semaphore_mem>>) src(%dma_wait3A_728 : memref<50x128xi32, #tpu.memory_space<hbm>>) dst(%arg5 : memref<50x128xi32, #tpu.memory_space<vmem>>)
      tpu.yield
    }) : () -> ()
    %broadcast_in_dim3A = arith.constant 0.000000e+00 : f32
    %broadcast_in_dim3A_1 = vector.broadcast %broadcast_in_dim3A : f32 to vector<16xf32>
    %scan3A = arith.constant 0 : i32
    %scan3A_2 = arith.constant 0 : i32
    %scan3A_3 = arith.constant 128 : i32
    %scan3A_4 = arith.addi %scan3A_2, %scan3A_3 : i32
    %scan3A_5 = arith.constant 1 : i32
    scf.for %scan3A_713 = %scan3A_2 to %scan3A_4 step %scan3A_5  : i32 {
      %swap3A = arith.index_cast %scan3A_713 : i32 to index
      %swap3A_714 = arith.constant 0 : index
      %swap3A_715 = tpu.vector_load %arg6[%swap3A, %swap3A_714] {strides = array<i32>} : memref<128x128xf32, #tpu.memory_space<vmem>>, vector<1x16xf32>,
      %swap3A_716 = vector.shape_cast %swap3A_715 : vector<1x16xf32> to vector<16xf32>
      %swap3A_717 = vector.shape_cast %broadcast_in_dim3A_1 : vector<16xf32> to vector<1x16xf32>
      tpu.vector_store %arg6[%swap3A, %swap3A_714], %swap3A_717 {strides = array<i32>} : memref<128x128xf32, #tpu.memory_space<vmem>>, vector<1x16xf32>,
      %swap3A_718 = arith.index_cast %scan3A_713 : i32 to index
      %swap3A_719 = arith.constant 0 : index
      %swap3A_720 = tpu.vector_load %arg7[%swap3A_718, %swap3A_719] {strides = array<i32>} : memref<128x128xf32, #tpu.memory_space<vmem>>, vector<1x16xf32>,
      %swap3A_721 = vector.shape_cast %swap3A_720 : vector<1x16xf32> to vector<16xf32>
      %swap3A_722 = vector.shape_cast %broadcast_in_dim3A_1 : vector<16xf32> to vector<1x16xf32>
      tpu.vector_store %arg7[%swap3A_718, %swap3A_719], %swap3A_722 {strides = array<i32>} : memref<128x128xf32, #tpu.memory_space<vmem>>, vector<1x16xf32>,
      %swap3A_723 = arith.index_cast %scan3A_713 : i32 to index
      %swap3A_724 = arith.constant 16 : index
      %swap3A_725 = tpu.vector_load %arg6[%swap3A_723, %swap3A_724] {strides = array<i32>} : memref<128x128xf32, #tpu.memory_space<vmem>>, vector<1x16xf32>,
      %swap3A_726 = vector.shape_cast %swap3A_725 : vector<1x16xf32> to vector<16xf32>
      %swap3A_727 = vector.shape_cast %broadcast_in_dim3A_1 : vector<16xf32> to vector<1x16xf32>
      tpu.vector_store %arg6[%swap3A_723, %swap3A_724], %swap3A_727 {strides = array<i32>} : memref<128x128xf32, #tpu.memory_space<vmem>>, vector<1x16xf32>,
      %swap3A_728 = arith.index_cast %scan3A_713 : i32 to index
      %swap3A_729 = arith.constant 16 : index
      %swap3A_730 = tpu.vector_load %arg7[%swap3A_728, %swap3A_729] {strides = array<i32>} : memref<128x128xf32, #tpu.memory_space<vmem>>, vector<1x16xf32>,
      %swap3A_731 = vector.shape_cast %swap3A_730 : vector<1x16xf32> to vector<16xf32>
      %swap3A_732 = vector.shape_cast %broadcast_in_dim3A_1 : vector<16xf32> to vector<1x16xf32>
      tpu.vector_store %arg7[%swap3A_728, %swap3A_729], %swap3A_732 {strides = array<i32>} : memref<128x128xf32, #tpu.memory_space<vmem>>, vector<1x16xf32>,
      %swap3A_733 = arith.index_cast %scan3A_713 : i32 to index
      %swap3A_734 = arith.constant 32 : index
      %swap3A_735 = tpu.vector_load %arg6[%swap3A_733, %swap3A_734] {strides = array<i32>} : memref<128x128xf32, #tpu.memory_space<vmem>>, vector<1x16xf32>,
      %swap3A_736 = vector.shape_cast %swap3A_735 : vector<1x16xf32> to vector<16xf32>
      %swap3A_737 = vector.shape_cast %broadcast_in_dim3A_1 : vector<16xf32> to vector<1x16xf32>
      tpu.vector_store %arg6[%swap3A_733, %swap3A_734], %swap3A_737 {strides = array<i32>} : memref<128x128xf32, #tpu.memory_space<vmem>>, vector<1x16xf32>,
      %swap3A_738 = arith.index_cast %scan3A_713 : i32 to index
      %swap3A_739 = arith.constant 32 : index
      %swap3A_740 = tpu.vector_load %arg7[%swap3A_738, %swap3A_739] {strides = array<i32>} : memref<128x128xf32, #tpu.memory_space<vmem>>, vector<1x16xf32>,
      %swap3A_741 = vector.shape_cast %swap3A_740 : vector<1x16xf32> to vector<16xf32>
      %swap3A_742 = vector.shape_cast %broadcast_in_dim3A_1 : vector<16xf32> to vector<1x16xf32>
      tpu.vector_store %arg7[%swap3A_738, %swap3A_739], %swap3A_742 {strides = array<i32>} : memref<128x128xf32, #tpu.memory_space<vmem>>, vector<1x16xf32>,
      %swap3A_743 = arith.index_cast %scan3A_713 : i32 to index
      %swap3A_744 = arith.constant 48 : index
      %swap3A_745 = tpu.vector_load %arg6[%swap3A_743, %swap3A_744] {strides = array<i32>} : memref<128x128xf32, #tpu.memory_space<vmem>>, vector<1x16xf32>,
      %swap3A_746 = vector.shape_cast %swap3A_745 : vector<1x16xf32> to vector<16xf32>
      %swap3A_747 = vector.shape_cast %broadcast_in_dim3A_1 : vector<16xf32> to vector<1x16xf32>
      tpu.vector_store %arg6[%swap3A_743, %swap3A_744], %swap3A_747 {strides = array<i32>} : memref<128x128xf32, #tpu.memory_space<vmem>>, vector<1x16xf32>,
      %swap3A_748 = arith.index_cast %scan3A_713 : i32 to index
      %swap3A_749 = arith.constant 48 : index
      %swap3A_750 = tpu.vector_load %arg7[%swap3A_748, %swap3A_749] {strides = array<i32>} : memref<128x128xf32, #tpu.memory_space<vmem>>, vector<1x16xf32>,
      %swap3A_751 = vector.shape_cast %swap3A_750 : vector<1x16xf32> to vector<16xf32>
      %swap3A_752 = vector.shape_cast %broadcast_in_dim3A_1 : vector<16xf32> to vector<1x16xf32>
      tpu.vector_store %arg7[%swap3A_748, %swap3A_749], %swap3A_752 {strides = array<i32>} : memref<128x128xf32, #tpu.memory_space<vmem>>, vector<1x16xf32>,
      %swap3A_753 = arith.index_cast %scan3A_713 : i32 to index
      %swap3A_754 = arith.constant 64 : index
      %swap3A_755 = tpu.vector_load %arg6[%swap3A_753, %swap3A_754] {strides = array<i32>} : memref<128x128xf32, #tpu.memory_space<vmem>>, vector<1x16xf32>,
      %swap3A_756 = vector.shape_cast %swap3A_755 : vector<1x16xf32> to vector<16xf32>
      %swap3A_757 = vector.shape_cast %broadcast_in_dim3A_1 : vector<16xf32> to vector<1x16xf32>
      tpu.vector_store %arg6[%swap3A_753, %swap3A_754], %swap3A_757 {strides = array<i32>} : memref<128x128xf32, #tpu.memory_space<vmem>>, vector<1x16xf32>,
      %swap3A_758 = arith.index_cast %scan3A_713 : i32 to index
      %swap3A_759 = arith.constant 64 : index
      %swap3A_760 = tpu.vector_load %arg7[%swap3A_758, %swap3A_759] {strides = array<i32>} : memref<128x128xf32, #tpu.memory_space<vmem>>, vector<1x16xf32>,
      %swap3A_761 = vector.shape_cast %swap3A_760 : vector<1x16xf32> to vector<16xf32>
      %swap3A_762 = vector.shape_cast %broadcast_in_dim3A_1 : vector<16xf32> to vector<1x16xf32>
      tpu.vector_store %arg7[%swap3A_758, %swap3A_759], %swap3A_762 {strides = array<i32>} : memref<128x128xf32, #tpu.memory_space<vmem>>, vector<1x16xf32>,
      %swap3A_763 = arith.index_cast %scan3A_713 : i32 to index
      %swap3A_764 = arith.constant 80 : index
      %swap3A_765 = tpu.vector_load %arg6[%swap3A_763, %swap3A_764] {strides = array<i32>} : memref<128x128xf32, #tpu.memory_space<vmem>>, vector<1x16xf32>,
      %swap3A_766 = vector.shape_cast %swap3A_765 : vector<1x16xf32> to vector<16xf32>
      %swap3A_767 = vector.shape_cast %broadcast_in_dim3A_1 : vector<16xf32> to vector<1x16xf32>
      tpu.vector_store %arg6[%swap3A_763, %swap3A_764], %swap3A_767 {strides = array<i32>} : memref<128x128xf32, #tpu.memory_space<vmem>>, vector<1x16xf32>,
      %swap3A_768 = arith.index_cast %scan3A_713 : i32 to index
      %swap3A_769 = arith.constant 80 : index
      %swap3A_770 = tpu.vector_load %arg7[%swap3A_768, %swap3A_769] {strides = array<i32>} : memref<128x128xf32, #tpu.memory_space<vmem>>, vector<1x16xf32>,
      %swap3A_771 = vector.shape_cast %swap3A_770 : vector<1x16xf32> to vector<16xf32>
      %swap3A_772 = vector.shape_cast %broadcast_in_dim3A_1 : vector<16xf32> to vector<1x16xf32>
      tpu.vector_store %arg7[%swap3A_768, %swap3A_769], %swap3A_772 {strides = array<i32>} : memref<128x128xf32, #tpu.memory_space<vmem>>, vector<1x16xf32>,
      %swap3A_773 = arith.index_cast %scan3A_713 : i32 to index
      %swap3A_774 = arith.constant 96 : index
      %swap3A_775 = tpu.vector_load %arg6[%swap3A_773, %swap3A_774] {strides = array<i32>} : memref<128x128xf32, #tpu.memory_space<vmem>>, vector<1x16xf32>,
      %swap3A_776 = vector.shape_cast %swap3A_775 : vector<1x16xf32> to vector<16xf32>
      %swap3A_777 = vector.shape_cast %broadcast_in_dim3A_1 : vector<16xf32> to vector<1x16xf32>
      tpu.vector_store %arg6[%swap3A_773, %swap3A_774], %swap3A_777 {strides = array<i32>} : memref<128x128xf32, #tpu.memory_space<vmem>>, vector<1x16xf32>,
      %swap3A_778 = arith.index_cast %scan3A_713 : i32 to index
      %swap3A_779 = arith.constant 96 : index
      %swap3A_780 = tpu.vector_load %arg7[%swap3A_778, %swap3A_779] {strides = array<i32>} : memref<128x128xf32, #tpu.memory_space<vmem>>, vector<1x16xf32>,
      %swap3A_781 = vector.shape_cast %swap3A_780 : vector<1x16xf32> to vector<16xf32>
      %swap3A_782 = vector.shape_cast %broadcast_in_dim3A_1 : vector<16xf32> to vector<1x16xf32>
      tpu.vector_store %arg7[%swap3A_778, %swap3A_779], %swap3A_782 {strides = array<i32>} : memref<128x128xf32, #tpu.memory_space<vmem>>, vector<1x16xf32>,
      %swap3A_783 = arith.index_cast %scan3A_713 : i32 to index
      %swap3A_784 = arith.constant 112 : index
      %swap3A_785 = tpu.vector_load %arg6[%swap3A_783, %swap3A_784] {strides = array<i32>} : memref<128x128xf32, #tpu.memory_space<vmem>>, vector<1x16xf32>,
      %swap3A_786 = vector.shape_cast %swap3A_785 : vector<1x16xf32> to vector<16xf32>
      %swap3A_787 = vector.shape_cast %broadcast_in_dim3A_1 : vector<16xf32> to vector<1x16xf32>
      tpu.vector_store %arg6[%swap3A_783, %swap3A_784], %swap3A_787 {strides = array<i32>} : memref<128x128xf32, #tpu.memory_space<vmem>>, vector<1x16xf32>,
      %swap3A_788 = arith.index_cast %scan3A_713 : i32 to index
      %swap3A_789 = arith.constant 112 : index
      %swap3A_790 = tpu.vector_load %arg7[%swap3A_788, %swap3A_789] {strides = array<i32>} : memref<128x128xf32, #tpu.memory_space<vmem>>, vector<1x16xf32>,
      %swap3A_791 = vector.shape_cast %swap3A_790 : vector<1x16xf32> to vector<16xf32>
      %swap3A_792 = vector.shape_cast %broadcast_in_dim3A_1 : vector<16xf32> to vector<1x16xf32>
      tpu.vector_store %arg7[%swap3A_788, %swap3A_789], %swap3A_792 {strides = array<i32>} : memref<128x128xf32, #tpu.memory_space<vmem>>, vector<1x16xf32>,
    }
    %scan3A_6 = arith.constant 128 : i32
    %dma_start3A = arith.constant 0 : i32
    %dma_start3A_7 = arith.constant 0 : i32
    %dma_start3A_8 = tpu.memref_slice %arg5[%dma_start3A, %dma_start3A_7] : memref<50x128xi32, #tpu.memory_space<vmem>> -> memref<1x128xi32, #tpu.memory_space<vmem>>
    %dma_start3A_9 = tpu.memref_squeeze %dma_start3A_8 : memref<1x128xi32, #tpu.memory_space<vmem>> -> memref<128xi32, #tpu.memory_space<vmem>>
    %dma_start3A_10 = arith.constant 0 : i32
    %dma_start3A_11 = arith.constant 0 : i32
    %dma_start3A_12 = tpu.memref_slice %arg2[%dma_start3A_10, %dma_start3A_11] : memref<1000000x128xf32, #tpu.memory_space<hbm>> -> memref<1000000x128xf32, #tpu.memory_space<hbm>>
    tpu.enqueue_indirect_dma source(%dma_start3A_12 : memref<1000000x128xf32, #tpu.memory_space<hbm>>) target(%arg6 : memref<128x128xf32, #tpu.memory_space<vmem>>) offsets(%dma_start3A_9 : memref<128xi32, #tpu.memory_space<vmem>>) semaphore(%arg8 : memref<!tpu.dma_semaphore, #tpu.memory_space<semaphore_mem>>) {add = true}
    %dma_start3A_13 = arith.constant 1 : i32
    %dma_start3A_14 = arith.constant 0 : i32
    %dma_start3A_15 = tpu.memref_slice %arg5[%dma_start3A_13, %dma_start3A_14] : memref<50x128xi32, #tpu.memory_space<vmem>> -> memref<1x128xi32, #tpu.memory_space<vmem>>
    %dma_start3A_16 = tpu.memref_squeeze %dma_start3A_15 : memref<1x128xi32, #tpu.memory_space<vmem>> -> memref<128xi32, #tpu.memory_space<vmem>>
    %dma_start3A_17 = arith.constant 0 : i32
    %dma_start3A_18 = arith.constant 0 : i32
    %dma_start3A_19 = tpu.memref_slice %arg2[%dma_start3A_17, %dma_start3A_18] : memref<1000000x128xf32, #tpu.memory_space<hbm>> -> memref<1000000x128xf32, #tpu.memory_space<hbm>>
    tpu.enqueue_indirect_dma source(%dma_start3A_19 : memref<1000000x128xf32, #tpu.memory_space<hbm>>) target(%arg7 : memref<128x128xf32, #tpu.memory_space<vmem>>) offsets(%dma_start3A_16 : memref<128xi32, #tpu.memory_space<vmem>>) semaphore(%arg8 : memref<!tpu.dma_semaphore, #tpu.memory_space<semaphore_mem>>) {add = true}
    %dma_start3A_20 = arith.constant 2 : i32
    %dma_start3A_21 = arith.constant 0 : i32
    %dma_start3A_22 = tpu.memref_slice %arg5[%dma_start3A_20, %dma_start3A_21] : memref<50x128xi32, #tpu.memory_space<vmem>> -> memref<1x128xi32, #tpu.memory_space<vmem>>
    %dma_start3A_23 = tpu.memref_squeeze %dma_start3A_22 : memref<1x128xi32, #tpu.memory_space<vmem>> -> memref<128xi32, #tpu.memory_space<vmem>>
    %dma_start3A_24 = arith.constant 0 : i32
    %dma_start3A_25 = arith.constant 0 : i32
    %dma_start3A_26 = tpu.memref_slice %arg2[%dma_start3A_24, %dma_start3A_25] : memref<1000000x128xf32, #tpu.memory_space<hbm>> -> memref<1000000x128xf32, #tpu.memory_space<hbm>>
    tpu.enqueue_indirect_dma source(%dma_start3A_26 : memref<1000000x128xf32, #tpu.memory_space<hbm>>) target(%arg6 : memref<128x128xf32, #tpu.memory_space<vmem>>) offsets(%dma_start3A_23 : memref<128xi32, #tpu.memory_space<vmem>>) semaphore(%arg8 : memref<!tpu.dma_semaphore, #tpu.memory_space<semaphore_mem>>) {add = true}
    %dma_start3A_27 = arith.constant 3 : i32
    %dma_start3A_28 = arith.constant 0 : i32
    %dma_start3A_29 = tpu.memref_slice %arg5[%dma_start3A_27, %dma_start3A_28] : memref<50x128xi32, #tpu.memory_space<vmem>> -> memref<1x128xi32, #tpu.memory_space<vmem>>
    %dma_start3A_30 = tpu.memref_squeeze %dma_start3A_29 : memref<1x128xi32, #tpu.memory_space<vmem>> -> memref<128xi32, #tpu.memory_space<vmem>>
    %dma_start3A_31 = arith.constant 0 : i32
    %dma_start3A_32 = arith.constant 0 : i32
    %dma_start3A_33 = tpu.memref_slice %arg2[%dma_start3A_31, %dma_start3A_32] : memref<1000000x128xf32, #tpu.memory_space<hbm>> -> memref<1000000x128xf32, #tpu.memory_space<hbm>>
    tpu.enqueue_indirect_dma source(%dma_start3A_33 : memref<1000000x128xf32, #tpu.memory_space<hbm>>) target(%arg7 : memref<128x128xf32, #tpu.memory_space<vmem>>) offsets(%dma_start3A_30 : memref<128xi32, #tpu.memory_space<vmem>>) semaphore(%arg8 : memref<!tpu.dma_semaphore, #tpu.memory_space<semaphore_mem>>) {add = true}
    %dma_start3A_34 = arith.constant 4 : i32
    %dma_start3A_35 = arith.constant 0 : i32
    %dma_start3A_36 = tpu.memref_slice %arg5[%dma_start3A_34, %dma_start3A_35] : memref<50x128xi32, #tpu.memory_space<vmem>> -> memref<1x128xi32, #tpu.memory_space<vmem>>
    %dma_start3A_37 = tpu.memref_squeeze %dma_start3A_36 : memref<1x128xi32, #tpu.memory_space<vmem>> -> memref<128xi32, #tpu.memory_space<vmem>>
    %dma_start3A_38 = arith.constant 0 : i32
    %dma_start3A_39 = arith.constant 0 : i32
    %dma_start3A_40 = tpu.memref_slice %arg2[%dma_start3A_38, %dma_start3A_39] : memref<1000000x128xf32, #tpu.memory_space<hbm>> -> memref<1000000x128xf32, #tpu.memory_space<hbm>>
    tpu.enqueue_indirect_dma source(%dma_start3A_40 : memref<1000000x128xf32, #tpu.memory_space<hbm>>) target(%arg6 : memref<128x128xf32, #tpu.memory_space<vmem>>) offsets(%dma_start3A_37 : memref<128xi32, #tpu.memory_space<vmem>>) semaphore(%arg8 : memref<!tpu.dma_semaphore, #tpu.memory_space<semaphore_mem>>) {add = true}
    %dma_start3A_41 = arith.constant 5 : i32
    %dma_start3A_42 = arith.constant 0 : i32
    %dma_start3A_43 = tpu.memref_slice %arg5[%dma_start3A_41, %dma_start3A_42] : memref<50x128xi32, #tpu.memory_space<vmem>> -> memref<1x128xi32, #tpu.memory_space<vmem>>
    %dma_start3A_44 = tpu.memref_squeeze %dma_start3A_43 : memref<1x128xi32, #tpu.memory_space<vmem>> -> memref<128xi32, #tpu.memory_space<vmem>>
    %dma_start3A_45 = arith.constant 0 : i32
    %dma_start3A_46 = arith.constant 0 : i32
    %dma_start3A_47 = tpu.memref_slice %arg2[%dma_start3A_45, %dma_start3A_46] : memref<1000000x128xf32, #tpu.memory_space<hbm>> -> memref<1000000x128xf32, #tpu.memory_space<hbm>>
    tpu.enqueue_indirect_dma source(%dma_start3A_47 : memref<1000000x128xf32, #tpu.memory_space<hbm>>) target(%arg7 : memref<128x128xf32, #tpu.memory_space<vmem>>) offsets(%dma_start3A_44 : memref<128xi32, #tpu.memory_space<vmem>>) semaphore(%arg8 : memref<!tpu.dma_semaphore, #tpu.memory_space<semaphore_mem>>) {add = true}
    %dma_start3A_48 = arith.constant 6 : i32
    %dma_start3A_49 = arith.constant 0 : i32
    %dma_start3A_50 = tpu.memref_slice %arg5[%dma_start3A_48, %dma_start3A_49] : memref<50x128xi32, #tpu.memory_space<vmem>> -> memref<1x128xi32, #tpu.memory_space<vmem>>
    %dma_start3A_51 = tpu.memref_squeeze %dma_start3A_50 : memref<1x128xi32, #tpu.memory_space<vmem>> -> memref<128xi32, #tpu.memory_space<vmem>>
    %dma_start3A_52 = arith.constant 0 : i32
    %dma_start3A_53 = arith.constant 0 : i32
    %dma_start3A_54 = tpu.memref_slice %arg2[%dma_start3A_52, %dma_start3A_53] : memref<1000000x128xf32, #tpu.memory_space<hbm>> -> memref<1000000x128xf32, #tpu.memory_space<hbm>>
    tpu.enqueue_indirect_dma source(%dma_start3A_54 : memref<1000000x128xf32, #tpu.memory_space<hbm>>) target(%arg6 : memref<128x128xf32, #tpu.memory_space<vmem>>) offsets(%dma_start3A_51 : memref<128xi32, #tpu.memory_space<vmem>>) semaphore(%arg8 : memref<!tpu.dma_semaphore, #tpu.memory_space<semaphore_mem>>) {add = true}
    %dma_start3A_55 = arith.constant 7 : i32
    %dma_start3A_56 = arith.constant 0 : i32
    %dma_start3A_57 = tpu.memref_slice %arg5[%dma_start3A_55, %dma_start3A_56] : memref<50x128xi32, #tpu.memory_space<vmem>> -> memref<1x128xi32, #tpu.memory_space<vmem>>
    %dma_start3A_58 = tpu.memref_squeeze %dma_start3A_57 : memref<1x128xi32, #tpu.memory_space<vmem>> -> memref<128xi32, #tpu.memory_space<vmem>>
    %dma_start3A_59 = arith.constant 0 : i32
    %dma_start3A_60 = arith.constant 0 : i32
    %dma_start3A_61 = tpu.memref_slice %arg2[%dma_start3A_59, %dma_start3A_60] : memref<1000000x128xf32, #tpu.memory_space<hbm>> -> memref<1000000x128xf32, #tpu.memory_space<hbm>>
    tpu.enqueue_indirect_dma source(%dma_start3A_61 : memref<1000000x128xf32, #tpu.memory_space<hbm>>) target(%arg7 : memref<128x128xf32, #tpu.memory_space<vmem>>) offsets(%dma_start3A_58 : memref<128xi32, #tpu.memory_space<vmem>>) semaphore(%arg8 : memref<!tpu.dma_semaphore, #tpu.memory_space<semaphore_mem>>) {add = true}
    %dma_start3A_62 = arith.constant 8 : i32
    %dma_start3A_63 = arith.constant 0 : i32
    %dma_start3A_64 = tpu.memref_slice %arg5[%dma_start3A_62, %dma_start3A_63] : memref<50x128xi32, #tpu.memory_space<vmem>> -> memref<1x128xi32, #tpu.memory_space<vmem>>
    %dma_start3A_65 = tpu.memref_squeeze %dma_start3A_64 : memref<1x128xi32, #tpu.memory_space<vmem>> -> memref<128xi32, #tpu.memory_space<vmem>>
    %dma_start3A_66 = arith.constant 0 : i32
    %dma_start3A_67 = arith.constant 0 : i32
    %dma_start3A_68 = tpu.memref_slice %arg2[%dma_start3A_66, %dma_start3A_67] : memref<1000000x128xf32, #tpu.memory_space<hbm>> -> memref<1000000x128xf32, #tpu.memory_space<hbm>>
    tpu.enqueue_indirect_dma source(%dma_start3A_68 : memref<1000000x128xf32, #tpu.memory_space<hbm>>) target(%arg6 : memref<128x128xf32, #tpu.memory_space<vmem>>) offsets(%dma_start3A_65 : memref<128xi32, #tpu.memory_space<vmem>>) semaphore(%arg8 : memref<!tpu.dma_semaphore, #tpu.memory_space<semaphore_mem>>) {add = true}
    %dma_start3A_69 = arith.constant 9 : i32
    %dma_start3A_70 = arith.constant 0 : i32
    %dma_start3A_71 = tpu.memref_slice %arg5[%dma_start3A_69, %dma_start3A_70] : memref<50x128xi32, #tpu.memory_space<vmem>> -> memref<1x128xi32, #tpu.memory_space<vmem>>
    %dma_start3A_72 = tpu.memref_squeeze %dma_start3A_71 : memref<1x128xi32, #tpu.memory_space<vmem>> -> memref<128xi32, #tpu.memory_space<vmem>>
    %dma_start3A_73 = arith.constant 0 : i32
    %dma_start3A_74 = arith.constant 0 : i32
    %dma_start3A_75 = tpu.memref_slice %arg2[%dma_start3A_73, %dma_start3A_74] : memref<1000000x128xf32, #tpu.memory_space<hbm>> -> memref<1000000x128xf32, #tpu.memory_space<hbm>>
    tpu.enqueue_indirect_dma source(%dma_start3A_75 : memref<1000000x128xf32, #tpu.memory_space<hbm>>) target(%arg7 : memref<128x128xf32, #tpu.memory_space<vmem>>) offsets(%dma_start3A_72 : memref<128xi32, #tpu.memory_space<vmem>>) semaphore(%arg8 : memref<!tpu.dma_semaphore, #tpu.memory_space<semaphore_mem>>) {add = true}
    %dma_start3A_76 = arith.constant 10 : i32
    %dma_start3A_77 = arith.constant 0 : i32
    %dma_start3A_78 = tpu.memref_slice %arg5[%dma_start3A_76, %dma_start3A_77] : memref<50x128xi32, #tpu.memory_space<vmem>> -> memref<1x128xi32, #tpu.memory_space<vmem>>
    %dma_start3A_79 = tpu.memref_squeeze %dma_start3A_78 : memref<1x128xi32, #tpu.memory_space<vmem>> -> memref<128xi32, #tpu.memory_space<vmem>>
    %dma_start3A_80 = arith.constant 0 : i32
    %dma_start3A_81 = arith.constant 0 : i32
    %dma_start3A_82 = tpu.memref_slice %arg2[%dma_start3A_80, %dma_start3A_81] : memref<1000000x128xf32, #tpu.memory_space<hbm>> -> memref<1000000x128xf32, #tpu.memory_space<hbm>>
    tpu.enqueue_indirect_dma source(%dma_start3A_82 : memref<1000000x128xf32, #tpu.memory_space<hbm>>) target(%arg6 : memref<128x128xf32, #tpu.memory_space<vmem>>) offsets(%dma_start3A_79 : memref<128xi32, #tpu.memory_space<vmem>>) semaphore(%arg8 : memref<!tpu.dma_semaphore, #tpu.memory_space<semaphore_mem>>) {add = true}
    %dma_start3A_83 = arith.constant 11 : i32
    %dma_start3A_84 = arith.constant 0 : i32
    %dma_start3A_85 = tpu.memref_slice %arg5[%dma_start3A_83, %dma_start3A_84] : memref<50x128xi32, #tpu.memory_space<vmem>> -> memref<1x128xi32, #tpu.memory_space<vmem>>
    %dma_start3A_86 = tpu.memref_squeeze %dma_start3A_85 : memref<1x128xi32, #tpu.memory_space<vmem>> -> memref<128xi32, #tpu.memory_space<vmem>>
    %dma_start3A_87 = arith.constant 0 : i32
    %dma_start3A_88 = arith.constant 0 : i32
    %dma_start3A_89 = tpu.memref_slice %arg2[%dma_start3A_87, %dma_start3A_88] : memref<1000000x128xf32, #tpu.memory_space<hbm>> -> memref<1000000x128xf32, #tpu.memory_space<hbm>>
    tpu.enqueue_indirect_dma source(%dma_start3A_89 : memref<1000000x128xf32, #tpu.memory_space<hbm>>) target(%arg7 : memref<128x128xf32, #tpu.memory_space<vmem>>) offsets(%dma_start3A_86 : memref<128xi32, #tpu.memory_space<vmem>>) semaphore(%arg8 : memref<!tpu.dma_semaphore, #tpu.memory_space<semaphore_mem>>) {add = true}
    %dma_start3A_90 = arith.constant 12 : i32
    %dma_start3A_91 = arith.constant 0 : i32
    %dma_start3A_92 = tpu.memref_slice %arg5[%dma_start3A_90, %dma_start3A_91] : memref<50x128xi32, #tpu.memory_space<vmem>> -> memref<1x128xi32, #tpu.memory_space<vmem>>
    %dma_start3A_93 = tpu.memref_squeeze %dma_start3A_92 : memref<1x128xi32, #tpu.memory_space<vmem>> -> memref<128xi32, #tpu.memory_space<vmem>>
    %dma_start3A_94 = arith.constant 0 : i32
    %dma_start3A_95 = arith.constant 0 : i32
    %dma_start3A_96 = tpu.memref_slice %arg2[%dma_start3A_94, %dma_start3A_95] : memref<1000000x128xf32, #tpu.memory_space<hbm>> -> memref<1000000x128xf32, #tpu.memory_space<hbm>>
    tpu.enqueue_indirect_dma source(%dma_start3A_96 : memref<1000000x128xf32, #tpu.memory_space<hbm>>) target(%arg6 : memref<128x128xf32, #tpu.memory_space<vmem>>) offsets(%dma_start3A_93 : memref<128xi32, #tpu.memory_space<vmem>>) semaphore(%arg8 : memref<!tpu.dma_semaphore, #tpu.memory_space<semaphore_mem>>) {add = true}
    %dma_start3A_97 = arith.constant 13 : i32
    %dma_start3A_98 = arith.constant 0 : i32
    %dma_start3A_99 = tpu.memref_slice %arg5[%dma_start3A_97, %dma_start3A_98] : memref<50x128xi32, #tpu.memory_space<vmem>> -> memref<1x128xi32, #tpu.memory_space<vmem>>
    %dma_start3A_100 = tpu.memref_squeeze %dma_start3A_99 : memref<1x128xi32, #tpu.memory_space<vmem>> -> memref<128xi32, #tpu.memory_space<vmem>>
    %dma_start3A_101 = arith.constant 0 : i32
    %dma_start3A_102 = arith.constant 0 : i32
    %dma_start3A_103 = tpu.memref_slice %arg2[%dma_start3A_101, %dma_start3A_102] : memref<1000000x128xf32, #tpu.memory_space<hbm>> -> memref<1000000x128xf32, #tpu.memory_space<hbm>>
    tpu.enqueue_indirect_dma source(%dma_start3A_103 : memref<1000000x128xf32, #tpu.memory_space<hbm>>) target(%arg7 : memref<128x128xf32, #tpu.memory_space<vmem>>) offsets(%dma_start3A_100 : memref<128xi32, #tpu.memory_space<vmem>>) semaphore(%arg8 : memref<!tpu.dma_semaphore, #tpu.memory_space<semaphore_mem>>) {add = true}
    %dma_start3A_104 = arith.constant 14 : i32
    %dma_start3A_105 = arith.constant 0 : i32
    %dma_start3A_106 = tpu.memref_slice %arg5[%dma_start3A_104, %dma_start3A_105] : memref<50x128xi32, #tpu.memory_space<vmem>> -> memref<1x128xi32, #tpu.memory_space<vmem>>
    %dma_start3A_107 = tpu.memref_squeeze %dma_start3A_106 : memref<1x128xi32, #tpu.memory_space<vmem>> -> memref<128xi32, #tpu.memory_space<vmem>>
    %dma_start3A_108 = arith.constant 0 : i32
    %dma_start3A_109 = arith.constant 0 : i32
    %dma_start3A_110 = tpu.memref_slice %arg2[%dma_start3A_108, %dma_start3A_109] : memref<1000000x128xf32, #tpu.memory_space<hbm>> -> memref<1000000x128xf32, #tpu.memory_space<hbm>>
    tpu.enqueue_indirect_dma source(%dma_start3A_110 : memref<1000000x128xf32, #tpu.memory_space<hbm>>) target(%arg6 : memref<128x128xf32, #tpu.memory_space<vmem>>) offsets(%dma_start3A_107 : memref<128xi32, #tpu.memory_space<vmem>>) semaphore(%arg8 : memref<!tpu.dma_semaphore, #tpu.memory_space<semaphore_mem>>) {add = true}
    %dma_start3A_111 = arith.constant 15 : i32
    %dma_start3A_112 = arith.constant 0 : i32
    %dma_start3A_113 = tpu.memref_slice %arg5[%dma_start3A_111, %dma_start3A_112] : memref<50x128xi32, #tpu.memory_space<vmem>> -> memref<1x128xi32, #tpu.memory_space<vmem>>
    %dma_start3A_114 = tpu.memref_squeeze %dma_start3A_113 : memref<1x128xi32, #tpu.memory_space<vmem>> -> memref<128xi32, #tpu.memory_space<vmem>>
    %dma_start3A_115 = arith.constant 0 : i32
    %dma_start3A_116 = arith.constant 0 : i32
    %dma_start3A_117 = tpu.memref_slice %arg2[%dma_start3A_115, %dma_start3A_116] : memref<1000000x128xf32, #tpu.memory_space<hbm>> -> memref<1000000x128xf32, #tpu.memory_space<hbm>>
    tpu.enqueue_indirect_dma source(%dma_start3A_117 : memref<1000000x128xf32, #tpu.memory_space<hbm>>) target(%arg7 : memref<128x128xf32, #tpu.memory_space<vmem>>) offsets(%dma_start3A_114 : memref<128xi32, #tpu.memory_space<vmem>>) semaphore(%arg8 : memref<!tpu.dma_semaphore, #tpu.memory_space<semaphore_mem>>) {add = true}
    %dma_start3A_118 = arith.constant 16 : i32
    %dma_start3A_119 = arith.constant 0 : i32
    %dma_start3A_120 = tpu.memref_slice %arg5[%dma_start3A_118, %dma_start3A_119] : memref<50x128xi32, #tpu.memory_space<vmem>> -> memref<1x128xi32, #tpu.memory_space<vmem>>
    %dma_start3A_121 = tpu.memref_squeeze %dma_start3A_120 : memref<1x128xi32, #tpu.memory_space<vmem>> -> memref<128xi32, #tpu.memory_space<vmem>>
    %dma_start3A_122 = arith.constant 0 : i32
    %dma_start3A_123 = arith.constant 0 : i32
    %dma_start3A_124 = tpu.memref_slice %arg2[%dma_start3A_122, %dma_start3A_123] : memref<1000000x128xf32, #tpu.memory_space<hbm>> -> memref<1000000x128xf32, #tpu.memory_space<hbm>>
    tpu.enqueue_indirect_dma source(%dma_start3A_124 : memref<1000000x128xf32, #tpu.memory_space<hbm>>) target(%arg6 : memref<128x128xf32, #tpu.memory_space<vmem>>) offsets(%dma_start3A_121 : memref<128xi32, #tpu.memory_space<vmem>>) semaphore(%arg8 : memref<!tpu.dma_semaphore, #tpu.memory_space<semaphore_mem>>) {add = true}
    %dma_start3A_125 = arith.constant 17 : i32
    %dma_start3A_126 = arith.constant 0 : i32
    %dma_start3A_127 = tpu.memref_slice %arg5[%dma_start3A_125, %dma_start3A_126] : memref<50x128xi32, #tpu.memory_space<vmem>> -> memref<1x128xi32, #tpu.memory_space<vmem>>
    %dma_start3A_128 = tpu.memref_squeeze %dma_start3A_127 : memref<1x128xi32, #tpu.memory_space<vmem>> -> memref<128xi32, #tpu.memory_space<vmem>>
    %dma_start3A_129 = arith.constant 0 : i32
    %dma_start3A_130 = arith.constant 0 : i32
    %dma_start3A_131 = tpu.memref_slice %arg2[%dma_start3A_129, %dma_start3A_130] : memref<1000000x128xf32, #tpu.memory_space<hbm>> -> memref<1000000x128xf32, #tpu.memory_space<hbm>>
    tpu.enqueue_indirect_dma source(%dma_start3A_131 : memref<1000000x128xf32, #tpu.memory_space<hbm>>) target(%arg7 : memref<128x128xf32, #tpu.memory_space<vmem>>) offsets(%dma_start3A_128 : memref<128xi32, #tpu.memory_space<vmem>>) semaphore(%arg8 : memref<!tpu.dma_semaphore, #tpu.memory_space<semaphore_mem>>) {add = true}
    %dma_start3A_132 = arith.constant 18 : i32
    %dma_start3A_133 = arith.constant 0 : i32
    %dma_start3A_134 = tpu.memref_slice %arg5[%dma_start3A_132, %dma_start3A_133] : memref<50x128xi32, #tpu.memory_space<vmem>> -> memref<1x128xi32, #tpu.memory_space<vmem>>
    %dma_start3A_135 = tpu.memref_squeeze %dma_start3A_134 : memref<1x128xi32, #tpu.memory_space<vmem>> -> memref<128xi32, #tpu.memory_space<vmem>>
    %dma_start3A_136 = arith.constant 0 : i32
    %dma_start3A_137 = arith.constant 0 : i32
    %dma_start3A_138 = tpu.memref_slice %arg2[%dma_start3A_136, %dma_start3A_137] : memref<1000000x128xf32, #tpu.memory_space<hbm>> -> memref<1000000x128xf32, #tpu.memory_space<hbm>>
    tpu.enqueue_indirect_dma source(%dma_start3A_138 : memref<1000000x128xf32, #tpu.memory_space<hbm>>) target(%arg6 : memref<128x128xf32, #tpu.memory_space<vmem>>) offsets(%dma_start3A_135 : memref<128xi32, #tpu.memory_space<vmem>>) semaphore(%arg8 : memref<!tpu.dma_semaphore, #tpu.memory_space<semaphore_mem>>) {add = true}
    %dma_start3A_139 = arith.constant 19 : i32
    %dma_start3A_140 = arith.constant 0 : i32
    %dma_start3A_141 = tpu.memref_slice %arg5[%dma_start3A_139, %dma_start3A_140] : memref<50x128xi32, #tpu.memory_space<vmem>> -> memref<1x128xi32, #tpu.memory_space<vmem>>
    %dma_start3A_142 = tpu.memref_squeeze %dma_start3A_141 : memref<1x128xi32, #tpu.memory_space<vmem>> -> memref<128xi32, #tpu.memory_space<vmem>>
    %dma_start3A_143 = arith.constant 0 : i32
    %dma_start3A_144 = arith.constant 0 : i32
    %dma_start3A_145 = tpu.memref_slice %arg2[%dma_start3A_143, %dma_start3A_144] : memref<1000000x128xf32, #tpu.memory_space<hbm>> -> memref<1000000x128xf32, #tpu.memory_space<hbm>>
    tpu.enqueue_indirect_dma source(%dma_start3A_145 : memref<1000000x128xf32, #tpu.memory_space<hbm>>) target(%arg7 : memref<128x128xf32, #tpu.memory_space<vmem>>) offsets(%dma_start3A_142 : memref<128xi32, #tpu.memory_space<vmem>>) semaphore(%arg8 : memref<!tpu.dma_semaphore, #tpu.memory_space<semaphore_mem>>) {add = true}
    %dma_start3A_146 = arith.constant 20 : i32
    %dma_start3A_147 = arith.constant 0 : i32
    %dma_start3A_148 = tpu.memref_slice %arg5[%dma_start3A_146, %dma_start3A_147] : memref<50x128xi32, #tpu.memory_space<vmem>> -> memref<1x128xi32, #tpu.memory_space<vmem>>
    %dma_start3A_149 = tpu.memref_squeeze %dma_start3A_148 : memref<1x128xi32, #tpu.memory_space<vmem>> -> memref<128xi32, #tpu.memory_space<vmem>>
    %dma_start3A_150 = arith.constant 0 : i32
    %dma_start3A_151 = arith.constant 0 : i32
    %dma_start3A_152 = tpu.memref_slice %arg2[%dma_start3A_150, %dma_start3A_151] : memref<1000000x128xf32, #tpu.memory_space<hbm>> -> memref<1000000x128xf32, #tpu.memory_space<hbm>>
    tpu.enqueue_indirect_dma source(%dma_start3A_152 : memref<1000000x128xf32, #tpu.memory_space<hbm>>) target(%arg6 : memref<128x128xf32, #tpu.memory_space<vmem>>) offsets(%dma_start3A_149 : memref<128xi32, #tpu.memory_space<vmem>>) semaphore(%arg8 : memref<!tpu.dma_semaphore, #tpu.memory_space<semaphore_mem>>) {add = true}
    %dma_start3A_153 = arith.constant 21 : i32
    %dma_start3A_154 = arith.constant 0 : i32
    %dma_start3A_155 = tpu.memref_slice %arg5[%dma_start3A_153, %dma_start3A_154] : memref<50x128xi32, #tpu.memory_space<vmem>> -> memref<1x128xi32, #tpu.memory_space<vmem>>
    %dma_start3A_156 = tpu.memref_squeeze %dma_start3A_155 : memref<1x128xi32, #tpu.memory_space<vmem>> -> memref<128xi32, #tpu.memory_space<vmem>>
    %dma_start3A_157 = arith.constant 0 : i32
    %dma_start3A_158 = arith.constant 0 : i32
    %dma_start3A_159 = tpu.memref_slice %arg2[%dma_start3A_157, %dma_start3A_158] : memref<1000000x128xf32, #tpu.memory_space<hbm>> -> memref<1000000x128xf32, #tpu.memory_space<hbm>>
    tpu.enqueue_indirect_dma source(%dma_start3A_159 : memref<1000000x128xf32, #tpu.memory_space<hbm>>) target(%arg7 : memref<128x128xf32, #tpu.memory_space<vmem>>) offsets(%dma_start3A_156 : memref<128xi32, #tpu.memory_space<vmem>>) semaphore(%arg8 : memref<!tpu.dma_semaphore, #tpu.memory_space<semaphore_mem>>) {add = true}
    %dma_start3A_160 = arith.constant 22 : i32
    %dma_start3A_161 = arith.constant 0 : i32
    %dma_start3A_162 = tpu.memref_slice %arg5[%dma_start3A_160, %dma_start3A_161] : memref<50x128xi32, #tpu.memory_space<vmem>> -> memref<1x128xi32, #tpu.memory_space<vmem>>
    %dma_start3A_163 = tpu.memref_squeeze %dma_start3A_162 : memref<1x128xi32, #tpu.memory_space<vmem>> -> memref<128xi32, #tpu.memory_space<vmem>>
    %dma_start3A_164 = arith.constant 0 : i32
    %dma_start3A_165 = arith.constant 0 : i32
    %dma_start3A_166 = tpu.memref_slice %arg2[%dma_start3A_164, %dma_start3A_165] : memref<1000000x128xf32, #tpu.memory_space<hbm>> -> memref<1000000x128xf32, #tpu.memory_space<hbm>>
    tpu.enqueue_indirect_dma source(%dma_start3A_166 : memref<1000000x128xf32, #tpu.memory_space<hbm>>) target(%arg6 : memref<128x128xf32, #tpu.memory_space<vmem>>) offsets(%dma_start3A_163 : memref<128xi32, #tpu.memory_space<vmem>>) semaphore(%arg8 : memref<!tpu.dma_semaphore, #tpu.memory_space<semaphore_mem>>) {add = true}
    %dma_start3A_167 = arith.constant 23 : i32
    %dma_start3A_168 = arith.constant 0 : i32
    %dma_start3A_169 = tpu.memref_slice %arg5[%dma_start3A_167, %dma_start3A_168] : memref<50x128xi32, #tpu.memory_space<vmem>> -> memref<1x128xi32, #tpu.memory_space<vmem>>
    %dma_start3A_170 = tpu.memref_squeeze %dma_start3A_169 : memref<1x128xi32, #tpu.memory_space<vmem>> -> memref<128xi32, #tpu.memory_space<vmem>>
    %dma_start3A_171 = arith.constant 0 : i32
    %dma_start3A_172 = arith.constant 0 : i32
    %dma_start3A_173 = tpu.memref_slice %arg2[%dma_start3A_171, %dma_start3A_172] : memref<1000000x128xf32, #tpu.memory_space<hbm>> -> memref<1000000x128xf32, #tpu.memory_space<hbm>>
    tpu.enqueue_indirect_dma source(%dma_start3A_173 : memref<1000000x128xf32, #tpu.memory_space<hbm>>) target(%arg7 : memref<128x128xf32, #tpu.memory_space<vmem>>) offsets(%dma_start3A_170 : memref<128xi32, #tpu.memory_space<vmem>>) semaphore(%arg8 : memref<!tpu.dma_semaphore, #tpu.memory_space<semaphore_mem>>) {add = true}
    %dma_start3A_174 = arith.constant 24 : i32
    %dma_start3A_175 = arith.constant 0 : i32
    %dma_start3A_176 = tpu.memref_slice %arg5[%dma_start3A_174, %dma_start3A_175] : memref<50x128xi32, #tpu.memory_space<vmem>> -> memref<1x128xi32, #tpu.memory_space<vmem>>
    %dma_start3A_177 = tpu.memref_squeeze %dma_start3A_176 : memref<1x128xi32, #tpu.memory_space<vmem>> -> memref<128xi32, #tpu.memory_space<vmem>>
    %dma_start3A_178 = arith.constant 0 : i32
    %dma_start3A_179 = arith.constant 0 : i32
    %dma_start3A_180 = tpu.memref_slice %arg2[%dma_start3A_178, %dma_start3A_179] : memref<1000000x128xf32, #tpu.memory_space<hbm>> -> memref<1000000x128xf32, #tpu.memory_space<hbm>>
    tpu.enqueue_indirect_dma source(%dma_start3A_180 : memref<1000000x128xf32, #tpu.memory_space<hbm>>) target(%arg6 : memref<128x128xf32, #tpu.memory_space<vmem>>) offsets(%dma_start3A_177 : memref<128xi32, #tpu.memory_space<vmem>>) semaphore(%arg8 : memref<!tpu.dma_semaphore, #tpu.memory_space<semaphore_mem>>) {add = true}
    %dma_start3A_181 = arith.constant 25 : i32
    %dma_start3A_182 = arith.constant 0 : i32
    %dma_start3A_183 = tpu.memref_slice %arg5[%dma_start3A_181, %dma_start3A_182] : memref<50x128xi32, #tpu.memory_space<vmem>> -> memref<1x128xi32, #tpu.memory_space<vmem>>
    %dma_start3A_184 = tpu.memref_squeeze %dma_start3A_183 : memref<1x128xi32, #tpu.memory_space<vmem>> -> memref<128xi32, #tpu.memory_space<vmem>>
    %dma_start3A_185 = arith.constant 0 : i32
    %dma_start3A_186 = arith.constant 0 : i32
    %dma_start3A_187 = tpu.memref_slice %arg2[%dma_start3A_185, %dma_start3A_186] : memref<1000000x128xf32, #tpu.memory_space<hbm>> -> memref<1000000x128xf32, #tpu.memory_space<hbm>>
    tpu.enqueue_indirect_dma source(%dma_start3A_187 : memref<1000000x128xf32, #tpu.memory_space<hbm>>) target(%arg7 : memref<128x128xf32, #tpu.memory_space<vmem>>) offsets(%dma_start3A_184 : memref<128xi32, #tpu.memory_space<vmem>>) semaphore(%arg8 : memref<!tpu.dma_semaphore, #tpu.memory_space<semaphore_mem>>) {add = true}
    %dma_start3A_188 = arith.constant 26 : i32
    %dma_start3A_189 = arith.constant 0 : i32
    %dma_start3A_190 = tpu.memref_slice %arg5[%dma_start3A_188, %dma_start3A_189] : memref<50x128xi32, #tpu.memory_space<vmem>> -> memref<1x128xi32, #tpu.memory_space<vmem>>
    %dma_start3A_191 = tpu.memref_squeeze %dma_start3A_190 : memref<1x128xi32, #tpu.memory_space<vmem>> -> memref<128xi32, #tpu.memory_space<vmem>>
    %dma_start3A_192 = arith.constant 0 : i32
    %dma_start3A_193 = arith.constant 0 : i32
    %dma_start3A_194 = tpu.memref_slice %arg2[%dma_start3A_192, %dma_start3A_193] : memref<1000000x128xf32, #tpu.memory_space<hbm>> -> memref<1000000x128xf32, #tpu.memory_space<hbm>>
    tpu.enqueue_indirect_dma source(%dma_start3A_194 : memref<1000000x128xf32, #tpu.memory_space<hbm>>) target(%arg6 : memref<128x128xf32, #tpu.memory_space<vmem>>) offsets(%dma_start3A_191 : memref<128xi32, #tpu.memory_space<vmem>>) semaphore(%arg8 : memref<!tpu.dma_semaphore, #tpu.memory_space<semaphore_mem>>) {add = true}
    %dma_start3A_195 = arith.constant 27 : i32
    %dma_start3A_196 = arith.constant 0 : i32
    %dma_start3A_197 = tpu.memref_slice %arg5[%dma_start3A_195, %dma_start3A_196] : memref<50x128xi32, #tpu.memory_space<vmem>> -> memref<1x128xi32, #tpu.memory_space<vmem>>
    %dma_start3A_198 = tpu.memref_squeeze %dma_start3A_197 : memref<1x128xi32, #tpu.memory_space<vmem>> -> memref<128xi32, #tpu.memory_space<vmem>>
    %dma_start3A_199 = arith.constant 0 : i32
    %dma_start3A_200 = arith.constant 0 : i32
    %dma_start3A_201 = tpu.memref_slice %arg2[%dma_start3A_199, %dma_start3A_200] : memref<1000000x128xf32, #tpu.memory_space<hbm>> -> memref<1000000x128xf32, #tpu.memory_space<hbm>>
    tpu.enqueue_indirect_dma source(%dma_start3A_201 : memref<1000000x128xf32, #tpu.memory_space<hbm>>) target(%arg7 : memref<128x128xf32, #tpu.memory_space<vmem>>) offsets(%dma_start3A_198 : memref<128xi32, #tpu.memory_space<vmem>>) semaphore(%arg8 : memref<!tpu.dma_semaphore, #tpu.memory_space<semaphore_mem>>) {add = true}
    %dma_start3A_202 = arith.constant 28 : i32
    %dma_start3A_203 = arith.constant 0 : i32
    %dma_start3A_204 = tpu.memref_slice %arg5[%dma_start3A_202, %dma_start3A_203] : memref<50x128xi32, #tpu.memory_space<vmem>> -> memref<1x128xi32, #tpu.memory_space<vmem>>
    %dma_start3A_205 = tpu.memref_squeeze %dma_start3A_204 : memref<1x128xi32, #tpu.memory_space<vmem>> -> memref<128xi32, #tpu.memory_space<vmem>>
    %dma_start3A_206 = arith.constant 0 : i32
    %dma_start3A_207 = arith.constant 0 : i32
    %dma_start3A_208 = tpu.memref_slice %arg2[%dma_start3A_206, %dma_start3A_207] : memref<1000000x128xf32, #tpu.memory_space<hbm>> -> memref<1000000x128xf32, #tpu.memory_space<hbm>>
    tpu.enqueue_indirect_dma source(%dma_start3A_208 : memref<1000000x128xf32, #tpu.memory_space<hbm>>) target(%arg6 : memref<128x128xf32, #tpu.memory_space<vmem>>) offsets(%dma_start3A_205 : memref<128xi32, #tpu.memory_space<vmem>>) semaphore(%arg8 : memref<!tpu.dma_semaphore, #tpu.memory_space<semaphore_mem>>) {add = true}
    %dma_start3A_209 = arith.constant 29 : i32
    %dma_start3A_210 = arith.constant 0 : i32
    %dma_start3A_211 = tpu.memref_slice %arg5[%dma_start3A_209, %dma_start3A_210] : memref<50x128xi32, #tpu.memory_space<vmem>> -> memref<1x128xi32, #tpu.memory_space<vmem>>
    %dma_start3A_212 = tpu.memref_squeeze %dma_start3A_211 : memref<1x128xi32, #tpu.memory_space<vmem>> -> memref<128xi32, #tpu.memory_space<vmem>>
    %dma_start3A_213 = arith.constant 0 : i32
    %dma_start3A_214 = arith.constant 0 : i32
    %dma_start3A_215 = tpu.memref_slice %arg2[%dma_start3A_213, %dma_start3A_214] : memref<1000000x128xf32, #tpu.memory_space<hbm>> -> memref<1000000x128xf32, #tpu.memory_space<hbm>>
    tpu.enqueue_indirect_dma source(%dma_start3A_215 : memref<1000000x128xf32, #tpu.memory_space<hbm>>) target(%arg7 : memref<128x128xf32, #tpu.memory_space<vmem>>) offsets(%dma_start3A_212 : memref<128xi32, #tpu.memory_space<vmem>>) semaphore(%arg8 : memref<!tpu.dma_semaphore, #tpu.memory_space<semaphore_mem>>) {add = true}
    %dma_start3A_216 = arith.constant 30 : i32
    %dma_start3A_217 = arith.constant 0 : i32
    %dma_start3A_218 = tpu.memref_slice %arg5[%dma_start3A_216, %dma_start3A_217] : memref<50x128xi32, #tpu.memory_space<vmem>> -> memref<1x128xi32, #tpu.memory_space<vmem>>
    %dma_start3A_219 = tpu.memref_squeeze %dma_start3A_218 : memref<1x128xi32, #tpu.memory_space<vmem>> -> memref<128xi32, #tpu.memory_space<vmem>>
    %dma_start3A_220 = arith.constant 0 : i32
    %dma_start3A_221 = arith.constant 0 : i32
    %dma_start3A_222 = tpu.memref_slice %arg2[%dma_start3A_220, %dma_start3A_221] : memref<1000000x128xf32, #tpu.memory_space<hbm>> -> memref<1000000x128xf32, #tpu.memory_space<hbm>>
    tpu.enqueue_indirect_dma source(%dma_start3A_222 : memref<1000000x128xf32, #tpu.memory_space<hbm>>) target(%arg6 : memref<128x128xf32, #tpu.memory_space<vmem>>) offsets(%dma_start3A_219 : memref<128xi32, #tpu.memory_space<vmem>>) semaphore(%arg8 : memref<!tpu.dma_semaphore, #tpu.memory_space<semaphore_mem>>) {add = true}
    %dma_start3A_223 = arith.constant 31 : i32
    %dma_start3A_224 = arith.constant 0 : i32
    %dma_start3A_225 = tpu.memref_slice %arg5[%dma_start3A_223, %dma_start3A_224] : memref<50x128xi32, #tpu.memory_space<vmem>> -> memref<1x128xi32, #tpu.memory_space<vmem>>
    %dma_start3A_226 = tpu.memref_squeeze %dma_start3A_225 : memref<1x128xi32, #tpu.memory_space<vmem>> -> memref<128xi32, #tpu.memory_space<vmem>>
    %dma_start3A_227 = arith.constant 0 : i32
    %dma_start3A_228 = arith.constant 0 : i32
    %dma_start3A_229 = tpu.memref_slice %arg2[%dma_start3A_227, %dma_start3A_228] : memref<1000000x128xf32, #tpu.memory_space<hbm>> -> memref<1000000x128xf32, #tpu.memory_space<hbm>>
    tpu.enqueue_indirect_dma source(%dma_start3A_229 : memref<1000000x128xf32, #tpu.memory_space<hbm>>) target(%arg7 : memref<128x128xf32, #tpu.memory_space<vmem>>) offsets(%dma_start3A_226 : memref<128xi32, #tpu.memory_space<vmem>>) semaphore(%arg8 : memref<!tpu.dma_semaphore, #tpu.memory_space<semaphore_mem>>) {add = true}
    %dma_start3A_230 = arith.constant 32 : i32
    %dma_start3A_231 = arith.constant 0 : i32
    %dma_start3A_232 = tpu.memref_slice %arg5[%dma_start3A_230, %dma_start3A_231] : memref<50x128xi32, #tpu.memory_space<vmem>> -> memref<1x128xi32, #tpu.memory_space<vmem>>
    %dma_start3A_233 = tpu.memref_squeeze %dma_start3A_232 : memref<1x128xi32, #tpu.memory_space<vmem>> -> memref<128xi32, #tpu.memory_space<vmem>>
    %dma_start3A_234 = arith.constant 0 : i32
    %dma_start3A_235 = arith.constant 0 : i32
    %dma_start3A_236 = tpu.memref_slice %arg2[%dma_start3A_234, %dma_start3A_235] : memref<1000000x128xf32, #tpu.memory_space<hbm>> -> memref<1000000x128xf32, #tpu.memory_space<hbm>>
    tpu.enqueue_indirect_dma source(%dma_start3A_236 : memref<1000000x128xf32, #tpu.memory_space<hbm>>) target(%arg6 : memref<128x128xf32, #tpu.memory_space<vmem>>) offsets(%dma_start3A_233 : memref<128xi32, #tpu.memory_space<vmem>>) semaphore(%arg8 : memref<!tpu.dma_semaphore, #tpu.memory_space<semaphore_mem>>) {add = true}
    %dma_start3A_237 = arith.constant 33 : i32
    %dma_start3A_238 = arith.constant 0 : i32
    %dma_start3A_239 = tpu.memref_slice %arg5[%dma_start3A_237, %dma_start3A_238] : memref<50x128xi32, #tpu.memory_space<vmem>> -> memref<1x128xi32, #tpu.memory_space<vmem>>
    %dma_start3A_240 = tpu.memref_squeeze %dma_start3A_239 : memref<1x128xi32, #tpu.memory_space<vmem>> -> memref<128xi32, #tpu.memory_space<vmem>>
    %dma_start3A_241 = arith.constant 0 : i32
    %dma_start3A_242 = arith.constant 0 : i32
    %dma_start3A_243 = tpu.memref_slice %arg2[%dma_start3A_241, %dma_start3A_242] : memref<1000000x128xf32, #tpu.memory_space<hbm>> -> memref<1000000x128xf32, #tpu.memory_space<hbm>>
    tpu.enqueue_indirect_dma source(%dma_start3A_243 : memref<1000000x128xf32, #tpu.memory_space<hbm>>) target(%arg7 : memref<128x128xf32, #tpu.memory_space<vmem>>) offsets(%dma_start3A_240 : memref<128xi32, #tpu.memory_space<vmem>>) semaphore(%arg8 : memref<!tpu.dma_semaphore, #tpu.memory_space<semaphore_mem>>) {add = true}
    %dma_start3A_244 = arith.constant 34 : i32
    %dma_start3A_245 = arith.constant 0 : i32
    %dma_start3A_246 = tpu.memref_slice %arg5[%dma_start3A_244, %dma_start3A_245] : memref<50x128xi32, #tpu.memory_space<vmem>> -> memref<1x128xi32, #tpu.memory_space<vmem>>
    %dma_start3A_247 = tpu.memref_squeeze %dma_start3A_246 : memref<1x128xi32, #tpu.memory_space<vmem>> -> memref<128xi32, #tpu.memory_space<vmem>>
    %dma_start3A_248 = arith.constant 0 : i32
    %dma_start3A_249 = arith.constant 0 : i32
    %dma_start3A_250 = tpu.memref_slice %arg2[%dma_start3A_248, %dma_start3A_249] : memref<1000000x128xf32, #tpu.memory_space<hbm>> -> memref<1000000x128xf32, #tpu.memory_space<hbm>>
    tpu.enqueue_indirect_dma source(%dma_start3A_250 : memref<1000000x128xf32, #tpu.memory_space<hbm>>) target(%arg6 : memref<128x128xf32, #tpu.memory_space<vmem>>) offsets(%dma_start3A_247 : memref<128xi32, #tpu.memory_space<vmem>>) semaphore(%arg8 : memref<!tpu.dma_semaphore, #tpu.memory_space<semaphore_mem>>) {add = true}
    %dma_start3A_251 = arith.constant 35 : i32
    %dma_start3A_252 = arith.constant 0 : i32
    %dma_start3A_253 = tpu.memref_slice %arg5[%dma_start3A_251, %dma_start3A_252] : memref<50x128xi32, #tpu.memory_space<vmem>> -> memref<1x128xi32, #tpu.memory_space<vmem>>
    %dma_start3A_254 = tpu.memref_squeeze %dma_start3A_253 : memref<1x128xi32, #tpu.memory_space<vmem>> -> memref<128xi32, #tpu.memory_space<vmem>>
    %dma_start3A_255 = arith.constant 0 : i32
    %dma_start3A_256 = arith.constant 0 : i32
    %dma_start3A_257 = tpu.memref_slice %arg2[%dma_start3A_255, %dma_start3A_256] : memref<1000000x128xf32, #tpu.memory_space<hbm>> -> memref<1000000x128xf32, #tpu.memory_space<hbm>>
    tpu.enqueue_indirect_dma source(%dma_start3A_257 : memref<1000000x128xf32, #tpu.memory_space<hbm>>) target(%arg7 : memref<128x128xf32, #tpu.memory_space<vmem>>) offsets(%dma_start3A_254 : memref<128xi32, #tpu.memory_space<vmem>>) semaphore(%arg8 : memref<!tpu.dma_semaphore, #tpu.memory_space<semaphore_mem>>) {add = true}
    %dma_start3A_258 = arith.constant 36 : i32
    %dma_start3A_259 = arith.constant 0 : i32
    %dma_start3A_260 = tpu.memref_slice %arg5[%dma_start3A_258, %dma_start3A_259] : memref<50x128xi32, #tpu.memory_space<vmem>> -> memref<1x128xi32, #tpu.memory_space<vmem>>
    %dma_start3A_261 = tpu.memref_squeeze %dma_start3A_260 : memref<1x128xi32, #tpu.memory_space<vmem>> -> memref<128xi32, #tpu.memory_space<vmem>>
    %dma_start3A_262 = arith.constant 0 : i32
    %dma_start3A_263 = arith.constant 0 : i32
    %dma_start3A_264 = tpu.memref_slice %arg2[%dma_start3A_262, %dma_start3A_263] : memref<1000000x128xf32, #tpu.memory_space<hbm>> -> memref<1000000x128xf32, #tpu.memory_space<hbm>>
    tpu.enqueue_indirect_dma source(%dma_start3A_264 : memref<1000000x128xf32, #tpu.memory_space<hbm>>) target(%arg6 : memref<128x128xf32, #tpu.memory_space<vmem>>) offsets(%dma_start3A_261 : memref<128xi32, #tpu.memory_space<vmem>>) semaphore(%arg8 : memref<!tpu.dma_semaphore, #tpu.memory_space<semaphore_mem>>) {add = true}
    %dma_start3A_265 = arith.constant 37 : i32
    %dma_start3A_266 = arith.constant 0 : i32
    %dma_start3A_267 = tpu.memref_slice %arg5[%dma_start3A_265, %dma_start3A_266] : memref<50x128xi32, #tpu.memory_space<vmem>> -> memref<1x128xi32, #tpu.memory_space<vmem>>
    %dma_start3A_268 = tpu.memref_squeeze %dma_start3A_267 : memref<1x128xi32, #tpu.memory_space<vmem>> -> memref<128xi32, #tpu.memory_space<vmem>>
    %dma_start3A_269 = arith.constant 0 : i32
    %dma_start3A_270 = arith.constant 0 : i32
    %dma_start3A_271 = tpu.memref_slice %arg2[%dma_start3A_269, %dma_start3A_270] : memref<1000000x128xf32, #tpu.memory_space<hbm>> -> memref<1000000x128xf32, #tpu.memory_space<hbm>>
    tpu.enqueue_indirect_dma source(%dma_start3A_271 : memref<1000000x128xf32, #tpu.memory_space<hbm>>) target(%arg7 : memref<128x128xf32, #tpu.memory_space<vmem>>) offsets(%dma_start3A_268 : memref<128xi32, #tpu.memory_space<vmem>>) semaphore(%arg8 : memref<!tpu.dma_semaphore, #tpu.memory_space<semaphore_mem>>) {add = true}
    %dma_start3A_272 = arith.constant 38 : i32
    %dma_start3A_273 = arith.constant 0 : i32
    %dma_start3A_274 = tpu.memref_slice %arg5[%dma_start3A_272, %dma_start3A_273] : memref<50x128xi32, #tpu.memory_space<vmem>> -> memref<1x128xi32, #tpu.memory_space<vmem>>
    %dma_start3A_275 = tpu.memref_squeeze %dma_start3A_274 : memref<1x128xi32, #tpu.memory_space<vmem>> -> memref<128xi32, #tpu.memory_space<vmem>>
    %dma_start3A_276 = arith.constant 0 : i32
    %dma_start3A_277 = arith.constant 0 : i32
    %dma_start3A_278 = tpu.memref_slice %arg2[%dma_start3A_276, %dma_start3A_277] : memref<1000000x128xf32, #tpu.memory_space<hbm>> -> memref<1000000x128xf32, #tpu.memory_space<hbm>>
    tpu.enqueue_indirect_dma source(%dma_start3A_278 : memref<1000000x128xf32, #tpu.memory_space<hbm>>) target(%arg6 : memref<128x128xf32, #tpu.memory_space<vmem>>) offsets(%dma_start3A_275 : memref<128xi32, #tpu.memory_space<vmem>>) semaphore(%arg8 : memref<!tpu.dma_semaphore, #tpu.memory_space<semaphore_mem>>) {add = true}
    %dma_start3A_279 = arith.constant 39 : i32
    %dma_start3A_280 = arith.constant 0 : i32
    %dma_start3A_281 = tpu.memref_slice %arg5[%dma_start3A_279, %dma_start3A_280] : memref<50x128xi32, #tpu.memory_space<vmem>> -> memref<1x128xi32, #tpu.memory_space<vmem>>
    %dma_start3A_282 = tpu.memref_squeeze %dma_start3A_281 : memref<1x128xi32, #tpu.memory_space<vmem>> -> memref<128xi32, #tpu.memory_space<vmem>>
    %dma_start3A_283 = arith.constant 0 : i32
    %dma_start3A_284 = arith.constant 0 : i32
    %dma_start3A_285 = tpu.memref_slice %arg2[%dma_start3A_283, %dma_start3A_284] : memref<1000000x128xf32, #tpu.memory_space<hbm>> -> memref<1000000x128xf32, #tpu.memory_space<hbm>>
    tpu.enqueue_indirect_dma source(%dma_start3A_285 : memref<1000000x128xf32, #tpu.memory_space<hbm>>) target(%arg7 : memref<128x128xf32, #tpu.memory_space<vmem>>) offsets(%dma_start3A_282 : memref<128xi32, #tpu.memory_space<vmem>>) semaphore(%arg8 : memref<!tpu.dma_semaphore, #tpu.memory_space<semaphore_mem>>) {add = true}
    %dma_start3A_286 = arith.constant 40 : i32
    %dma_start3A_287 = arith.constant 0 : i32
    %dma_start3A_288 = tpu.memref_slice %arg5[%dma_start3A_286, %dma_start3A_287] : memref<50x128xi32, #tpu.memory_space<vmem>> -> memref<1x128xi32, #tpu.memory_space<vmem>>
    %dma_start3A_289 = tpu.memref_squeeze %dma_start3A_288 : memref<1x128xi32, #tpu.memory_space<vmem>> -> memref<128xi32, #tpu.memory_space<vmem>>
    %dma_start3A_290 = arith.constant 0 : i32
    %dma_start3A_291 = arith.constant 0 : i32
    %dma_start3A_292 = tpu.memref_slice %arg2[%dma_start3A_290, %dma_start3A_291] : memref<1000000x128xf32, #tpu.memory_space<hbm>> -> memref<1000000x128xf32, #tpu.memory_space<hbm>>
    tpu.enqueue_indirect_dma source(%dma_start3A_292 : memref<1000000x128xf32, #tpu.memory_space<hbm>>) target(%arg6 : memref<128x128xf32, #tpu.memory_space<vmem>>) offsets(%dma_start3A_289 : memref<128xi32, #tpu.memory_space<vmem>>) semaphore(%arg8 : memref<!tpu.dma_semaphore, #tpu.memory_space<semaphore_mem>>) {add = true}
    %dma_start3A_293 = arith.constant 41 : i32
    %dma_start3A_294 = arith.constant 0 : i32
    %dma_start3A_295 = tpu.memref_slice %arg5[%dma_start3A_293, %dma_start3A_294] : memref<50x128xi32, #tpu.memory_space<vmem>> -> memref<1x128xi32, #tpu.memory_space<vmem>>
    %dma_start3A_296 = tpu.memref_squeeze %dma_start3A_295 : memref<1x128xi32, #tpu.memory_space<vmem>> -> memref<128xi32, #tpu.memory_space<vmem>>
    %dma_start3A_297 = arith.constant 0 : i32
    %dma_start3A_298 = arith.constant 0 : i32
    %dma_start3A_299 = tpu.memref_slice %arg2[%dma_start3A_297, %dma_start3A_298] : memref<1000000x128xf32, #tpu.memory_space<hbm>> -> memref<1000000x128xf32, #tpu.memory_space<hbm>>
    tpu.enqueue_indirect_dma source(%dma_start3A_299 : memref<1000000x128xf32, #tpu.memory_space<hbm>>) target(%arg7 : memref<128x128xf32, #tpu.memory_space<vmem>>) offsets(%dma_start3A_296 : memref<128xi32, #tpu.memory_space<vmem>>) semaphore(%arg8 : memref<!tpu.dma_semaphore, #tpu.memory_space<semaphore_mem>>) {add = true}
    %dma_start3A_300 = arith.constant 42 : i32
    %dma_start3A_301 = arith.constant 0 : i32
    %dma_start3A_302 = tpu.memref_slice %arg5[%dma_start3A_300, %dma_start3A_301] : memref<50x128xi32, #tpu.memory_space<vmem>> -> memref<1x128xi32, #tpu.memory_space<vmem>>
    %dma_start3A_303 = tpu.memref_squeeze %dma_start3A_302 : memref<1x128xi32, #tpu.memory_space<vmem>> -> memref<128xi32, #tpu.memory_space<vmem>>
    %dma_start3A_304 = arith.constant 0 : i32
    %dma_start3A_305 = arith.constant 0 : i32
    %dma_start3A_306 = tpu.memref_slice %arg2[%dma_start3A_304, %dma_start3A_305] : memref<1000000x128xf32, #tpu.memory_space<hbm>> -> memref<1000000x128xf32, #tpu.memory_space<hbm>>
    tpu.enqueue_indirect_dma source(%dma_start3A_306 : memref<1000000x128xf32, #tpu.memory_space<hbm>>) target(%arg6 : memref<128x128xf32, #tpu.memory_space<vmem>>) offsets(%dma_start3A_303 : memref<128xi32, #tpu.memory_space<vmem>>) semaphore(%arg8 : memref<!tpu.dma_semaphore, #tpu.memory_space<semaphore_mem>>) {add = true}
    %dma_start3A_307 = arith.constant 43 : i32
    %dma_start3A_308 = arith.constant 0 : i32
    %dma_start3A_309 = tpu.memref_slice %arg5[%dma_start3A_307, %dma_start3A_308] : memref<50x128xi32, #tpu.memory_space<vmem>> -> memref<1x128xi32, #tpu.memory_space<vmem>>
    %dma_start3A_310 = tpu.memref_squeeze %dma_start3A_309 : memref<1x128xi32, #tpu.memory_space<vmem>> -> memref<128xi32, #tpu.memory_space<vmem>>
    %dma_start3A_311 = arith.constant 0 : i32
    %dma_start3A_312 = arith.constant 0 : i32
    %dma_start3A_313 = tpu.memref_slice %arg2[%dma_start3A_311, %dma_start3A_312] : memref<1000000x128xf32, #tpu.memory_space<hbm>> -> memref<1000000x128xf32, #tpu.memory_space<hbm>>
    tpu.enqueue_indirect_dma source(%dma_start3A_313 : memref<1000000x128xf32, #tpu.memory_space<hbm>>) target(%arg7 : memref<128x128xf32, #tpu.memory_space<vmem>>) offsets(%dma_start3A_310 : memref<128xi32, #tpu.memory_space<vmem>>) semaphore(%arg8 : memref<!tpu.dma_semaphore, #tpu.memory_space<semaphore_mem>>) {add = true}
    %dma_start3A_314 = arith.constant 44 : i32
    %dma_start3A_315 = arith.constant 0 : i32
    %dma_start3A_316 = tpu.memref_slice %arg5[%dma_start3A_314, %dma_start3A_315] : memref<50x128xi32, #tpu.memory_space<vmem>> -> memref<1x128xi32, #tpu.memory_space<vmem>>
    %dma_start3A_317 = tpu.memref_squeeze %dma_start3A_316 : memref<1x128xi32, #tpu.memory_space<vmem>> -> memref<128xi32, #tpu.memory_space<vmem>>
    %dma_start3A_318 = arith.constant 0 : i32
    %dma_start3A_319 = arith.constant 0 : i32
    %dma_start3A_320 = tpu.memref_slice %arg2[%dma_start3A_318, %dma_start3A_319] : memref<1000000x128xf32, #tpu.memory_space<hbm>> -> memref<1000000x128xf32, #tpu.memory_space<hbm>>
    tpu.enqueue_indirect_dma source(%dma_start3A_320 : memref<1000000x128xf32, #tpu.memory_space<hbm>>) target(%arg6 : memref<128x128xf32, #tpu.memory_space<vmem>>) offsets(%dma_start3A_317 : memref<128xi32, #tpu.memory_space<vmem>>) semaphore(%arg8 : memref<!tpu.dma_semaphore, #tpu.memory_space<semaphore_mem>>) {add = true}
    %dma_start3A_321 = arith.constant 45 : i32
    %dma_start3A_322 = arith.constant 0 : i32
    %dma_start3A_323 = tpu.memref_slice %arg5[%dma_start3A_321, %dma_start3A_322] : memref<50x128xi32, #tpu.memory_space<vmem>> -> memref<1x128xi32, #tpu.memory_space<vmem>>
    %dma_start3A_324 = tpu.memref_squeeze %dma_start3A_323 : memref<1x128xi32, #tpu.memory_space<vmem>> -> memref<128xi32, #tpu.memory_space<vmem>>
    %dma_start3A_325 = arith.constant 0 : i32
    %dma_start3A_326 = arith.constant 0 : i32
    %dma_start3A_327 = tpu.memref_slice %arg2[%dma_start3A_325, %dma_start3A_326] : memref<1000000x128xf32, #tpu.memory_space<hbm>> -> memref<1000000x128xf32, #tpu.memory_space<hbm>>
    tpu.enqueue_indirect_dma source(%dma_start3A_327 : memref<1000000x128xf32, #tpu.memory_space<hbm>>) target(%arg7 : memref<128x128xf32, #tpu.memory_space<vmem>>) offsets(%dma_start3A_324 : memref<128xi32, #tpu.memory_space<vmem>>) semaphore(%arg8 : memref<!tpu.dma_semaphore, #tpu.memory_space<semaphore_mem>>) {add = true}
    %dma_start3A_328 = arith.constant 46 : i32
    %dma_start3A_329 = arith.constant 0 : i32
    %dma_start3A_330 = tpu.memref_slice %arg5[%dma_start3A_328, %dma_start3A_329] : memref<50x128xi32, #tpu.memory_space<vmem>> -> memref<1x128xi32, #tpu.memory_space<vmem>>
    %dma_start3A_331 = tpu.memref_squeeze %dma_start3A_330 : memref<1x128xi32, #tpu.memory_space<vmem>> -> memref<128xi32, #tpu.memory_space<vmem>>
    %dma_start3A_332 = arith.constant 0 : i32
    %dma_start3A_333 = arith.constant 0 : i32
    %dma_start3A_334 = tpu.memref_slice %arg2[%dma_start3A_332, %dma_start3A_333] : memref<1000000x128xf32, #tpu.memory_space<hbm>> -> memref<1000000x128xf32, #tpu.memory_space<hbm>>
    tpu.enqueue_indirect_dma source(%dma_start3A_334 : memref<1000000x128xf32, #tpu.memory_space<hbm>>) target(%arg6 : memref<128x128xf32, #tpu.memory_space<vmem>>) offsets(%dma_start3A_331 : memref<128xi32, #tpu.memory_space<vmem>>) semaphore(%arg8 : memref<!tpu.dma_semaphore, #tpu.memory_space<semaphore_mem>>) {add = true}
    %dma_start3A_335 = arith.constant 47 : i32
    %dma_start3A_336 = arith.constant 0 : i32
    %dma_start3A_337 = tpu.memref_slice %arg5[%dma_start3A_335, %dma_start3A_336] : memref<50x128xi32, #tpu.memory_space<vmem>> -> memref<1x128xi32, #tpu.memory_space<vmem>>
    %dma_start3A_338 = tpu.memref_squeeze %dma_start3A_337 : memref<1x128xi32, #tpu.memory_space<vmem>> -> memref<128xi32, #tpu.memory_space<vmem>>
    %dma_start3A_339 = arith.constant 0 : i32
    %dma_start3A_340 = arith.constant 0 : i32
    %dma_start3A_341 = tpu.memref_slice %arg2[%dma_start3A_339, %dma_start3A_340] : memref<1000000x128xf32, #tpu.memory_space<hbm>> -> memref<1000000x128xf32, #tpu.memory_space<hbm>>
    tpu.enqueue_indirect_dma source(%dma_start3A_341 : memref<1000000x128xf32, #tpu.memory_space<hbm>>) target(%arg7 : memref<128x128xf32, #tpu.memory_space<vmem>>) offsets(%dma_start3A_338 : memref<128xi32, #tpu.memory_space<vmem>>) semaphore(%arg8 : memref<!tpu.dma_semaphore, #tpu.memory_space<semaphore_mem>>) {add = true}
    %dma_start3A_342 = arith.constant 48 : i32
    %dma_start3A_343 = arith.constant 0 : i32
    %dma_start3A_344 = tpu.memref_slice %arg5[%dma_start3A_342, %dma_start3A_343] : memref<50x128xi32, #tpu.memory_space<vmem>> -> memref<1x128xi32, #tpu.memory_space<vmem>>
    %dma_start3A_345 = tpu.memref_squeeze %dma_start3A_344 : memref<1x128xi32, #tpu.memory_space<vmem>> -> memref<128xi32, #tpu.memory_space<vmem>>
    %dma_start3A_346 = arith.constant 0 : i32
    %dma_start3A_347 = arith.constant 0 : i32
    %dma_start3A_348 = tpu.memref_slice %arg2[%dma_start3A_346, %dma_start3A_347] : memref<1000000x128xf32, #tpu.memory_space<hbm>> -> memref<1000000x128xf32, #tpu.memory_space<hbm>>
    tpu.enqueue_indirect_dma source(%dma_start3A_348 : memref<1000000x128xf32, #tpu.memory_space<hbm>>) target(%arg6 : memref<128x128xf32, #tpu.memory_space<vmem>>) offsets(%dma_start3A_345 : memref<128xi32, #tpu.memory_space<vmem>>) semaphore(%arg8 : memref<!tpu.dma_semaphore, #tpu.memory_space<semaphore_mem>>) {add = true}
    %dma_start3A_349 = arith.constant 49 : i32
    %dma_start3A_350 = arith.constant 0 : i32
    %dma_start3A_351 = tpu.memref_slice %arg5[%dma_start3A_349, %dma_start3A_350] : memref<50x128xi32, #tpu.memory_space<vmem>> -> memref<1x128xi32, #tpu.memory_space<vmem>>
    %dma_start3A_352 = tpu.memref_squeeze %dma_start3A_351 : memref<1x128xi32, #tpu.memory_space<vmem>> -> memref<128xi32, #tpu.memory_space<vmem>>
    %dma_start3A_353 = arith.constant 0 : i32
    %dma_start3A_354 = arith.constant 0 : i32
    %dma_start3A_355 = tpu.memref_slice %arg2[%dma_start3A_353, %dma_start3A_354] : memref<1000000x128xf32, #tpu.memory_space<hbm>> -> memref<1000000x128xf32, #tpu.memory_space<hbm>>
    tpu.enqueue_indirect_dma source(%dma_start3A_355 : memref<1000000x128xf32, #tpu.memory_space<hbm>>) target(%arg7 : memref<128x128xf32, #tpu.memory_space<vmem>>) offsets(%dma_start3A_352 : memref<128xi32, #tpu.memory_space<vmem>>) semaphore(%arg8 : memref<!tpu.dma_semaphore, #tpu.memory_space<semaphore_mem>>) {add = true}
    %dma_wait3A = arith.constant 0 : i32
    %dma_wait3A_356 = arith.constant 0 : i32
    %dma_wait3A_357 = tpu.memref_slice %arg5[%dma_wait3A, %dma_wait3A_356] : memref<50x128xi32, #tpu.memory_space<vmem>> -> memref<1x128xi32, #tpu.memory_space<vmem>>
    %dma_wait3A_358 = tpu.memref_squeeze %dma_wait3A_357 : memref<1x128xi32, #tpu.memory_space<vmem>> -> memref<128xi32, #tpu.memory_space<vmem>>
    %dma_wait3A_359 = arith.constant 0 : i32
    %dma_wait3A_360 = arith.constant 0 : i32
    %dma_wait3A_361 = tpu.memref_slice %arg2[%dma_wait3A_359, %dma_wait3A_360] : memref<1000000x128xf32, #tpu.memory_space<hbm>> -> memref<1000000x128xf32, #tpu.memory_space<hbm>>
    tpu.wait_indirect_dma semaphore(%arg8 : memref<!tpu.dma_semaphore, #tpu.memory_space<semaphore_mem>>) src(%dma_wait3A_361 : memref<1000000x128xf32, #tpu.memory_space<hbm>>) dst(%arg6 : memref<128x128xf32, #tpu.memory_space<vmem>>)
    %dma_wait3A_362 = arith.constant 1 : i32
    %dma_wait3A_363 = arith.constant 0 : i32
    %dma_wait3A_364 = tpu.memref_slice %arg5[%dma_wait3A_362, %dma_wait3A_363] : memref<50x128xi32, #tpu.memory_space<vmem>> -> memref<1x128xi32, #tpu.memory_space<vmem>>
    %dma_wait3A_365 = tpu.memref_squeeze %dma_wait3A_364 : memref<1x128xi32, #tpu.memory_space<vmem>> -> memref<128xi32, #tpu.memory_space<vmem>>
    %dma_wait3A_366 = arith.constant 0 : i32
    %dma_wait3A_367 = arith.constant 0 : i32
    %dma_wait3A_368 = tpu.memref_slice %arg2[%dma_wait3A_366, %dma_wait3A_367] : memref<1000000x128xf32, #tpu.memory_space<hbm>> -> memref<1000000x128xf32, #tpu.memory_space<hbm>>
    tpu.wait_indirect_dma semaphore(%arg8 : memref<!tpu.dma_semaphore, #tpu.memory_space<semaphore_mem>>) src(%dma_wait3A_368 : memref<1000000x128xf32, #tpu.memory_space<hbm>>) dst(%arg7 : memref<128x128xf32, #tpu.memory_space<vmem>>)
    %dma_wait3A_369 = arith.constant 2 : i32
    %dma_wait3A_370 = arith.constant 0 : i32
    %dma_wait3A_371 = tpu.memref_slice %arg5[%dma_wait3A_369, %dma_wait3A_370] : memref<50x128xi32, #tpu.memory_space<vmem>> -> memref<1x128xi32, #tpu.memory_space<vmem>>
    %dma_wait3A_372 = tpu.memref_squeeze %dma_wait3A_371 : memref<1x128xi32, #tpu.memory_space<vmem>> -> memref<128xi32, #tpu.memory_space<vmem>>
    %dma_wait3A_373 = arith.constant 0 : i32
    %dma_wait3A_374 = arith.constant 0 : i32
    %dma_wait3A_375 = tpu.memref_slice %arg2[%dma_wait3A_373, %dma_wait3A_374] : memref<1000000x128xf32, #tpu.memory_space<hbm>> -> memref<1000000x128xf32, #tpu.memory_space<hbm>>
    tpu.wait_indirect_dma semaphore(%arg8 : memref<!tpu.dma_semaphore, #tpu.memory_space<semaphore_mem>>) src(%dma_wait3A_375 : memref<1000000x128xf32, #tpu.memory_space<hbm>>) dst(%arg6 : memref<128x128xf32, #tpu.memory_space<vmem>>)
    %dma_wait3A_376 = arith.constant 3 : i32
    %dma_wait3A_377 = arith.constant 0 : i32
    %dma_wait3A_378 = tpu.memref_slice %arg5[%dma_wait3A_376, %dma_wait3A_377] : memref<50x128xi32, #tpu.memory_space<vmem>> -> memref<1x128xi32, #tpu.memory_space<vmem>>
    %dma_wait3A_379 = tpu.memref_squeeze %dma_wait3A_378 : memref<1x128xi32, #tpu.memory_space<vmem>> -> memref<128xi32, #tpu.memory_space<vmem>>
    %dma_wait3A_380 = arith.constant 0 : i32
    %dma_wait3A_381 = arith.constant 0 : i32
    %dma_wait3A_382 = tpu.memref_slice %arg2[%dma_wait3A_380, %dma_wait3A_381] : memref<1000000x128xf32, #tpu.memory_space<hbm>> -> memref<1000000x128xf32, #tpu.memory_space<hbm>>
    tpu.wait_indirect_dma semaphore(%arg8 : memref<!tpu.dma_semaphore, #tpu.memory_space<semaphore_mem>>) src(%dma_wait3A_382 : memref<1000000x128xf32, #tpu.memory_space<hbm>>) dst(%arg7 : memref<128x128xf32, #tpu.memory_space<vmem>>)
    %dma_wait3A_383 = arith.constant 4 : i32
    %dma_wait3A_384 = arith.constant 0 : i32
    %dma_wait3A_385 = tpu.memref_slice %arg5[%dma_wait3A_383, %dma_wait3A_384] : memref<50x128xi32, #tpu.memory_space<vmem>> -> memref<1x128xi32, #tpu.memory_space<vmem>>
    %dma_wait3A_386 = tpu.memref_squeeze %dma_wait3A_385 : memref<1x128xi32, #tpu.memory_space<vmem>> -> memref<128xi32, #tpu.memory_space<vmem>>
    %dma_wait3A_387 = arith.constant 0 : i32
    %dma_wait3A_388 = arith.constant 0 : i32
    %dma_wait3A_389 = tpu.memref_slice %arg2[%dma_wait3A_387, %dma_wait3A_388] : memref<1000000x128xf32, #tpu.memory_space<hbm>> -> memref<1000000x128xf32, #tpu.memory_space<hbm>>
    tpu.wait_indirect_dma semaphore(%arg8 : memref<!tpu.dma_semaphore, #tpu.memory_space<semaphore_mem>>) src(%dma_wait3A_389 : memref<1000000x128xf32, #tpu.memory_space<hbm>>) dst(%arg6 : memref<128x128xf32, #tpu.memory_space<vmem>>)
    %dma_wait3A_390 = arith.constant 5 : i32
    %dma_wait3A_391 = arith.constant 0 : i32
    %dma_wait3A_392 = tpu.memref_slice %arg5[%dma_wait3A_390, %dma_wait3A_391] : memref<50x128xi32, #tpu.memory_space<vmem>> -> memref<1x128xi32, #tpu.memory_space<vmem>>
    %dma_wait3A_393 = tpu.memref_squeeze %dma_wait3A_392 : memref<1x128xi32, #tpu.memory_space<vmem>> -> memref<128xi32, #tpu.memory_space<vmem>>
    %dma_wait3A_394 = arith.constant 0 : i32
    %dma_wait3A_395 = arith.constant 0 : i32
    %dma_wait3A_396 = tpu.memref_slice %arg2[%dma_wait3A_394, %dma_wait3A_395] : memref<1000000x128xf32, #tpu.memory_space<hbm>> -> memref<1000000x128xf32, #tpu.memory_space<hbm>>
    tpu.wait_indirect_dma semaphore(%arg8 : memref<!tpu.dma_semaphore, #tpu.memory_space<semaphore_mem>>) src(%dma_wait3A_396 : memref<1000000x128xf32, #tpu.memory_space<hbm>>) dst(%arg7 : memref<128x128xf32, #tpu.memory_space<vmem>>)
    %dma_wait3A_397 = arith.constant 6 : i32
    %dma_wait3A_398 = arith.constant 0 : i32
    %dma_wait3A_399 = tpu.memref_slice %arg5[%dma_wait3A_397, %dma_wait3A_398] : memref<50x128xi32, #tpu.memory_space<vmem>> -> memref<1x128xi32, #tpu.memory_space<vmem>>
    %dma_wait3A_400 = tpu.memref_squeeze %dma_wait3A_399 : memref<1x128xi32, #tpu.memory_space<vmem>> -> memref<128xi32, #tpu.memory_space<vmem>>
    %dma_wait3A_401 = arith.constant 0 : i32
    %dma_wait3A_402 = arith.constant 0 : i32
    %dma_wait3A_403 = tpu.memref_slice %arg2[%dma_wait3A_401, %dma_wait3A_402] : memref<1000000x128xf32, #tpu.memory_space<hbm>> -> memref<1000000x128xf32, #tpu.memory_space<hbm>>
    tpu.wait_indirect_dma semaphore(%arg8 : memref<!tpu.dma_semaphore, #tpu.memory_space<semaphore_mem>>) src(%dma_wait3A_403 : memref<1000000x128xf32, #tpu.memory_space<hbm>>) dst(%arg6 : memref<128x128xf32, #tpu.memory_space<vmem>>)
    %dma_wait3A_404 = arith.constant 7 : i32
    %dma_wait3A_405 = arith.constant 0 : i32
    %dma_wait3A_406 = tpu.memref_slice %arg5[%dma_wait3A_404, %dma_wait3A_405] : memref<50x128xi32, #tpu.memory_space<vmem>> -> memref<1x128xi32, #tpu.memory_space<vmem>>
    %dma_wait3A_407 = tpu.memref_squeeze %dma_wait3A_406 : memref<1x128xi32, #tpu.memory_space<vmem>> -> memref<128xi32, #tpu.memory_space<vmem>>
    %dma_wait3A_408 = arith.constant 0 : i32
    %dma_wait3A_409 = arith.constant 0 : i32
    %dma_wait3A_410 = tpu.memref_slice %arg2[%dma_wait3A_408, %dma_wait3A_409] : memref<1000000x128xf32, #tpu.memory_space<hbm>> -> memref<1000000x128xf32, #tpu.memory_space<hbm>>
    tpu.wait_indirect_dma semaphore(%arg8 : memref<!tpu.dma_semaphore, #tpu.memory_space<semaphore_mem>>) src(%dma_wait3A_410 : memref<1000000x128xf32, #tpu.memory_space<hbm>>) dst(%arg7 : memref<128x128xf32, #tpu.memory_space<vmem>>)
    %dma_wait3A_411 = arith.constant 8 : i32
    %dma_wait3A_412 = arith.constant 0 : i32
    %dma_wait3A_413 = tpu.memref_slice %arg5[%dma_wait3A_411, %dma_wait3A_412] : memref<50x128xi32, #tpu.memory_space<vmem>> -> memref<1x128xi32, #tpu.memory_space<vmem>>
    %dma_wait3A_414 = tpu.memref_squeeze %dma_wait3A_413 : memref<1x128xi32, #tpu.memory_space<vmem>> -> memref<128xi32, #tpu.memory_space<vmem>>
    %dma_wait3A_415 = arith.constant 0 : i32
    %dma_wait3A_416 = arith.constant 0 : i32
    %dma_wait3A_417 = tpu.memref_slice %arg2[%dma_wait3A_415, %dma_wait3A_416] : memref<1000000x128xf32, #tpu.memory_space<hbm>> -> memref<1000000x128xf32, #tpu.memory_space<hbm>>
    tpu.wait_indirect_dma semaphore(%arg8 : memref<!tpu.dma_semaphore, #tpu.memory_space<semaphore_mem>>) src(%dma_wait3A_417 : memref<1000000x128xf32, #tpu.memory_space<hbm>>) dst(%arg6 : memref<128x128xf32, #tpu.memory_space<vmem>>)
    %dma_wait3A_418 = arith.constant 9 : i32
    %dma_wait3A_419 = arith.constant 0 : i32
    %dma_wait3A_420 = tpu.memref_slice %arg5[%dma_wait3A_418, %dma_wait3A_419] : memref<50x128xi32, #tpu.memory_space<vmem>> -> memref<1x128xi32, #tpu.memory_space<vmem>>
    %dma_wait3A_421 = tpu.memref_squeeze %dma_wait3A_420 : memref<1x128xi32, #tpu.memory_space<vmem>> -> memref<128xi32, #tpu.memory_space<vmem>>
    %dma_wait3A_422 = arith.constant 0 : i32
    %dma_wait3A_423 = arith.constant 0 : i32
    %dma_wait3A_424 = tpu.memref_slice %arg2[%dma_wait3A_422, %dma_wait3A_423] : memref<1000000x128xf32, #tpu.memory_space<hbm>> -> memref<1000000x128xf32, #tpu.memory_space<hbm>>
    tpu.wait_indirect_dma semaphore(%arg8 : memref<!tpu.dma_semaphore, #tpu.memory_space<semaphore_mem>>) src(%dma_wait3A_424 : memref<1000000x128xf32, #tpu.memory_space<hbm>>) dst(%arg7 : memref<128x128xf32, #tpu.memory_space<vmem>>)
    %dma_wait3A_425 = arith.constant 10 : i32
    %dma_wait3A_426 = arith.constant 0 : i32
    %dma_wait3A_427 = tpu.memref_slice %arg5[%dma_wait3A_425, %dma_wait3A_426] : memref<50x128xi32, #tpu.memory_space<vmem>> -> memref<1x128xi32, #tpu.memory_space<vmem>>
    %dma_wait3A_428 = tpu.memref_squeeze %dma_wait3A_427 : memref<1x128xi32, #tpu.memory_space<vmem>> -> memref<128xi32, #tpu.memory_space<vmem>>
    %dma_wait3A_429 = arith.constant 0 : i32
    %dma_wait3A_430 = arith.constant 0 : i32
    %dma_wait3A_431 = tpu.memref_slice %arg2[%dma_wait3A_429, %dma_wait3A_430] : memref<1000000x128xf32, #tpu.memory_space<hbm>> -> memref<1000000x128xf32, #tpu.memory_space<hbm>>
    tpu.wait_indirect_dma semaphore(%arg8 : memref<!tpu.dma_semaphore, #tpu.memory_space<semaphore_mem>>) src(%dma_wait3A_431 : memref<1000000x128xf32, #tpu.memory_space<hbm>>) dst(%arg6 : memref<128x128xf32, #tpu.memory_space<vmem>>)
    %dma_wait3A_432 = arith.constant 11 : i32
    %dma_wait3A_433 = arith.constant 0 : i32
    %dma_wait3A_434 = tpu.memref_slice %arg5[%dma_wait3A_432, %dma_wait3A_433] : memref<50x128xi32, #tpu.memory_space<vmem>> -> memref<1x128xi32, #tpu.memory_space<vmem>>
    %dma_wait3A_435 = tpu.memref_squeeze %dma_wait3A_434 : memref<1x128xi32, #tpu.memory_space<vmem>> -> memref<128xi32, #tpu.memory_space<vmem>>
    %dma_wait3A_436 = arith.constant 0 : i32
    %dma_wait3A_437 = arith.constant 0 : i32
    %dma_wait3A_438 = tpu.memref_slice %arg2[%dma_wait3A_436, %dma_wait3A_437] : memref<1000000x128xf32, #tpu.memory_space<hbm>> -> memref<1000000x128xf32, #tpu.memory_space<hbm>>
    tpu.wait_indirect_dma semaphore(%arg8 : memref<!tpu.dma_semaphore, #tpu.memory_space<semaphore_mem>>) src(%dma_wait3A_438 : memref<1000000x128xf32, #tpu.memory_space<hbm>>) dst(%arg7 : memref<128x128xf32, #tpu.memory_space<vmem>>)
    %dma_wait3A_439 = arith.constant 12 : i32
    %dma_wait3A_440 = arith.constant 0 : i32
    %dma_wait3A_441 = tpu.memref_slice %arg5[%dma_wait3A_439, %dma_wait3A_440] : memref<50x128xi32, #tpu.memory_space<vmem>> -> memref<1x128xi32, #tpu.memory_space<vmem>>
    %dma_wait3A_442 = tpu.memref_squeeze %dma_wait3A_441 : memref<1x128xi32, #tpu.memory_space<vmem>> -> memref<128xi32, #tpu.memory_space<vmem>>
    %dma_wait3A_443 = arith.constant 0 : i32
    %dma_wait3A_444 = arith.constant 0 : i32
    %dma_wait3A_445 = tpu.memref_slice %arg2[%dma_wait3A_443, %dma_wait3A_444] : memref<1000000x128xf32, #tpu.memory_space<hbm>> -> memref<1000000x128xf32, #tpu.memory_space<hbm>>
    tpu.wait_indirect_dma semaphore(%arg8 : memref<!tpu.dma_semaphore, #tpu.memory_space<semaphore_mem>>) src(%dma_wait3A_445 : memref<1000000x128xf32, #tpu.memory_space<hbm>>) dst(%arg6 : memref<128x128xf32, #tpu.memory_space<vmem>>)
    %dma_wait3A_446 = arith.constant 13 : i32
    %dma_wait3A_447 = arith.constant 0 : i32
    %dma_wait3A_448 = tpu.memref_slice %arg5[%dma_wait3A_446, %dma_wait3A_447] : memref<50x128xi32, #tpu.memory_space<vmem>> -> memref<1x128xi32, #tpu.memory_space<vmem>>
    %dma_wait3A_449 = tpu.memref_squeeze %dma_wait3A_448 : memref<1x128xi32, #tpu.memory_space<vmem>> -> memref<128xi32, #tpu.memory_space<vmem>>
    %dma_wait3A_450 = arith.constant 0 : i32
    %dma_wait3A_451 = arith.constant 0 : i32
    %dma_wait3A_452 = tpu.memref_slice %arg2[%dma_wait3A_450, %dma_wait3A_451] : memref<1000000x128xf32, #tpu.memory_space<hbm>> -> memref<1000000x128xf32, #tpu.memory_space<hbm>>
    tpu.wait_indirect_dma semaphore(%arg8 : memref<!tpu.dma_semaphore, #tpu.memory_space<semaphore_mem>>) src(%dma_wait3A_452 : memref<1000000x128xf32, #tpu.memory_space<hbm>>) dst(%arg7 : memref<128x128xf32, #tpu.memory_space<vmem>>)
    %dma_wait3A_453 = arith.constant 14 : i32
    %dma_wait3A_454 = arith.constant 0 : i32
    %dma_wait3A_455 = tpu.memref_slice %arg5[%dma_wait3A_453, %dma_wait3A_454] : memref<50x128xi32, #tpu.memory_space<vmem>> -> memref<1x128xi32, #tpu.memory_space<vmem>>
    %dma_wait3A_456 = tpu.memref_squeeze %dma_wait3A_455 : memref<1x128xi32, #tpu.memory_space<vmem>> -> memref<128xi32, #tpu.memory_space<vmem>>
    %dma_wait3A_457 = arith.constant 0 : i32
    %dma_wait3A_458 = arith.constant 0 : i32
    %dma_wait3A_459 = tpu.memref_slice %arg2[%dma_wait3A_457, %dma_wait3A_458] : memref<1000000x128xf32, #tpu.memory_space<hbm>> -> memref<1000000x128xf32, #tpu.memory_space<hbm>>
    tpu.wait_indirect_dma semaphore(%arg8 : memref<!tpu.dma_semaphore, #tpu.memory_space<semaphore_mem>>) src(%dma_wait3A_459 : memref<1000000x128xf32, #tpu.memory_space<hbm>>) dst(%arg6 : memref<128x128xf32, #tpu.memory_space<vmem>>)
    %dma_wait3A_460 = arith.constant 15 : i32
    %dma_wait3A_461 = arith.constant 0 : i32
    %dma_wait3A_462 = tpu.memref_slice %arg5[%dma_wait3A_460, %dma_wait3A_461] : memref<50x128xi32, #tpu.memory_space<vmem>> -> memref<1x128xi32, #tpu.memory_space<vmem>>
    %dma_wait3A_463 = tpu.memref_squeeze %dma_wait3A_462 : memref<1x128xi32, #tpu.memory_space<vmem>> -> memref<128xi32, #tpu.memory_space<vmem>>
    %dma_wait3A_464 = arith.constant 0 : i32
    %dma_wait3A_465 = arith.constant 0 : i32
    %dma_wait3A_466 = tpu.memref_slice %arg2[%dma_wait3A_464, %dma_wait3A_465] : memref<1000000x128xf32, #tpu.memory_space<hbm>> -> memref<1000000x128xf32, #tpu.memory_space<hbm>>
    tpu.wait_indirect_dma semaphore(%arg8 : memref<!tpu.dma_semaphore, #tpu.memory_space<semaphore_mem>>) src(%dma_wait3A_466 : memref<1000000x128xf32, #tpu.memory_space<hbm>>) dst(%arg7 : memref<128x128xf32, #tpu.memory_space<vmem>>)
    %dma_wait3A_467 = arith.constant 16 : i32
    %dma_wait3A_468 = arith.constant 0 : i32
    %dma_wait3A_469 = tpu.memref_slice %arg5[%dma_wait3A_467, %dma_wait3A_468] : memref<50x128xi32, #tpu.memory_space<vmem>> -> memref<1x128xi32, #tpu.memory_space<vmem>>
    %dma_wait3A_470 = tpu.memref_squeeze %dma_wait3A_469 : memref<1x128xi32, #tpu.memory_space<vmem>> -> memref<128xi32, #tpu.memory_space<vmem>>
    %dma_wait3A_471 = arith.constant 0 : i32
    %dma_wait3A_472 = arith.constant 0 : i32
    %dma_wait3A_473 = tpu.memref_slice %arg2[%dma_wait3A_471, %dma_wait3A_472] : memref<1000000x128xf32, #tpu.memory_space<hbm>> -> memref<1000000x128xf32, #tpu.memory_space<hbm>>
    tpu.wait_indirect_dma semaphore(%arg8 : memref<!tpu.dma_semaphore, #tpu.memory_space<semaphore_mem>>) src(%dma_wait3A_473 : memref<1000000x128xf32, #tpu.memory_space<hbm>>) dst(%arg6 : memref<128x128xf32, #tpu.memory_space<vmem>>)
    %dma_wait3A_474 = arith.constant 17 : i32
    %dma_wait3A_475 = arith.constant 0 : i32
    %dma_wait3A_476 = tpu.memref_slice %arg5[%dma_wait3A_474, %dma_wait3A_475] : memref<50x128xi32, #tpu.memory_space<vmem>> -> memref<1x128xi32, #tpu.memory_space<vmem>>
    %dma_wait3A_477 = tpu.memref_squeeze %dma_wait3A_476 : memref<1x128xi32, #tpu.memory_space<vmem>> -> memref<128xi32, #tpu.memory_space<vmem>>
    %dma_wait3A_478 = arith.constant 0 : i32
    %dma_wait3A_479 = arith.constant 0 : i32
    %dma_wait3A_480 = tpu.memref_slice %arg2[%dma_wait3A_478, %dma_wait3A_479] : memref<1000000x128xf32, #tpu.memory_space<hbm>> -> memref<1000000x128xf32, #tpu.memory_space<hbm>>
    tpu.wait_indirect_dma semaphore(%arg8 : memref<!tpu.dma_semaphore, #tpu.memory_space<semaphore_mem>>) src(%dma_wait3A_480 : memref<1000000x128xf32, #tpu.memory_space<hbm>>) dst(%arg7 : memref<128x128xf32, #tpu.memory_space<vmem>>)
    %dma_wait3A_481 = arith.constant 18 : i32
    %dma_wait3A_482 = arith.constant 0 : i32
    %dma_wait3A_483 = tpu.memref_slice %arg5[%dma_wait3A_481, %dma_wait3A_482] : memref<50x128xi32, #tpu.memory_space<vmem>> -> memref<1x128xi32, #tpu.memory_space<vmem>>
    %dma_wait3A_484 = tpu.memref_squeeze %dma_wait3A_483 : memref<1x128xi32, #tpu.memory_space<vmem>> -> memref<128xi32, #tpu.memory_space<vmem>>
    %dma_wait3A_485 = arith.constant 0 : i32
    %dma_wait3A_486 = arith.constant 0 : i32
    %dma_wait3A_487 = tpu.memref_slice %arg2[%dma_wait3A_485, %dma_wait3A_486] : memref<1000000x128xf32, #tpu.memory_space<hbm>> -> memref<1000000x128xf32, #tpu.memory_space<hbm>>
    tpu.wait_indirect_dma semaphore(%arg8 : memref<!tpu.dma_semaphore, #tpu.memory_space<semaphore_mem>>) src(%dma_wait3A_487 : memref<1000000x128xf32, #tpu.memory_space<hbm>>) dst(%arg6 : memref<128x128xf32, #tpu.memory_space<vmem>>)
    %dma_wait3A_488 = arith.constant 19 : i32
    %dma_wait3A_489 = arith.constant 0 : i32
    %dma_wait3A_490 = tpu.memref_slice %arg5[%dma_wait3A_488, %dma_wait3A_489] : memref<50x128xi32, #tpu.memory_space<vmem>> -> memref<1x128xi32, #tpu.memory_space<vmem>>
    %dma_wait3A_491 = tpu.memref_squeeze %dma_wait3A_490 : memref<1x128xi32, #tpu.memory_space<vmem>> -> memref<128xi32, #tpu.memory_space<vmem>>
    %dma_wait3A_492 = arith.constant 0 : i32
    %dma_wait3A_493 = arith.constant 0 : i32
    %dma_wait3A_494 = tpu.memref_slice %arg2[%dma_wait3A_492, %dma_wait3A_493] : memref<1000000x128xf32, #tpu.memory_space<hbm>> -> memref<1000000x128xf32, #tpu.memory_space<hbm>>
    tpu.wait_indirect_dma semaphore(%arg8 : memref<!tpu.dma_semaphore, #tpu.memory_space<semaphore_mem>>) src(%dma_wait3A_494 : memref<1000000x128xf32, #tpu.memory_space<hbm>>) dst(%arg7 : memref<128x128xf32, #tpu.memory_space<vmem>>)
    %dma_wait3A_495 = arith.constant 20 : i32
    %dma_wait3A_496 = arith.constant 0 : i32
    %dma_wait3A_497 = tpu.memref_slice %arg5[%dma_wait3A_495, %dma_wait3A_496] : memref<50x128xi32, #tpu.memory_space<vmem>> -> memref<1x128xi32, #tpu.memory_space<vmem>>
    %dma_wait3A_498 = tpu.memref_squeeze %dma_wait3A_497 : memref<1x128xi32, #tpu.memory_space<vmem>> -> memref<128xi32, #tpu.memory_space<vmem>>
    %dma_wait3A_499 = arith.constant 0 : i32
    %dma_wait3A_500 = arith.constant 0 : i32
    %dma_wait3A_501 = tpu.memref_slice %arg2[%dma_wait3A_499, %dma_wait3A_500] : memref<1000000x128xf32, #tpu.memory_space<hbm>> -> memref<1000000x128xf32, #tpu.memory_space<hbm>>
    tpu.wait_indirect_dma semaphore(%arg8 : memref<!tpu.dma_semaphore, #tpu.memory_space<semaphore_mem>>) src(%dma_wait3A_501 : memref<1000000x128xf32, #tpu.memory_space<hbm>>) dst(%arg6 : memref<128x128xf32, #tpu.memory_space<vmem>>)
    %dma_wait3A_502 = arith.constant 21 : i32
    %dma_wait3A_503 = arith.constant 0 : i32
    %dma_wait3A_504 = tpu.memref_slice %arg5[%dma_wait3A_502, %dma_wait3A_503] : memref<50x128xi32, #tpu.memory_space<vmem>> -> memref<1x128xi32, #tpu.memory_space<vmem>>
    %dma_wait3A_505 = tpu.memref_squeeze %dma_wait3A_504 : memref<1x128xi32, #tpu.memory_space<vmem>> -> memref<128xi32, #tpu.memory_space<vmem>>
    %dma_wait3A_506 = arith.constant 0 : i32
    %dma_wait3A_507 = arith.constant 0 : i32
    %dma_wait3A_508 = tpu.memref_slice %arg2[%dma_wait3A_506, %dma_wait3A_507] : memref<1000000x128xf32, #tpu.memory_space<hbm>> -> memref<1000000x128xf32, #tpu.memory_space<hbm>>
    tpu.wait_indirect_dma semaphore(%arg8 : memref<!tpu.dma_semaphore, #tpu.memory_space<semaphore_mem>>) src(%dma_wait3A_508 : memref<1000000x128xf32, #tpu.memory_space<hbm>>) dst(%arg7 : memref<128x128xf32, #tpu.memory_space<vmem>>)
    %dma_wait3A_509 = arith.constant 22 : i32
    %dma_wait3A_510 = arith.constant 0 : i32
    %dma_wait3A_511 = tpu.memref_slice %arg5[%dma_wait3A_509, %dma_wait3A_510] : memref<50x128xi32, #tpu.memory_space<vmem>> -> memref<1x128xi32, #tpu.memory_space<vmem>>
    %dma_wait3A_512 = tpu.memref_squeeze %dma_wait3A_511 : memref<1x128xi32, #tpu.memory_space<vmem>> -> memref<128xi32, #tpu.memory_space<vmem>>
    %dma_wait3A_513 = arith.constant 0 : i32
    %dma_wait3A_514 = arith.constant 0 : i32
    %dma_wait3A_515 = tpu.memref_slice %arg2[%dma_wait3A_513, %dma_wait3A_514] : memref<1000000x128xf32, #tpu.memory_space<hbm>> -> memref<1000000x128xf32, #tpu.memory_space<hbm>>
    tpu.wait_indirect_dma semaphore(%arg8 : memref<!tpu.dma_semaphore, #tpu.memory_space<semaphore_mem>>) src(%dma_wait3A_515 : memref<1000000x128xf32, #tpu.memory_space<hbm>>) dst(%arg6 : memref<128x128xf32, #tpu.memory_space<vmem>>)
    %dma_wait3A_516 = arith.constant 23 : i32
    %dma_wait3A_517 = arith.constant 0 : i32
    %dma_wait3A_518 = tpu.memref_slice %arg5[%dma_wait3A_516, %dma_wait3A_517] : memref<50x128xi32, #tpu.memory_space<vmem>> -> memref<1x128xi32, #tpu.memory_space<vmem>>
    %dma_wait3A_519 = tpu.memref_squeeze %dma_wait3A_518 : memref<1x128xi32, #tpu.memory_space<vmem>> -> memref<128xi32, #tpu.memory_space<vmem>>
    %dma_wait3A_520 = arith.constant 0 : i32
    %dma_wait3A_521 = arith.constant 0 : i32
    %dma_wait3A_522 = tpu.memref_slice %arg2[%dma_wait3A_520, %dma_wait3A_521] : memref<1000000x128xf32, #tpu.memory_space<hbm>> -> memref<1000000x128xf32, #tpu.memory_space<hbm>>
    tpu.wait_indirect_dma semaphore(%arg8 : memref<!tpu.dma_semaphore, #tpu.memory_space<semaphore_mem>>) src(%dma_wait3A_522 : memref<1000000x128xf32, #tpu.memory_space<hbm>>) dst(%arg7 : memref<128x128xf32, #tpu.memory_space<vmem>>)
    %dma_wait3A_523 = arith.constant 24 : i32
    %dma_wait3A_524 = arith.constant 0 : i32
    %dma_wait3A_525 = tpu.memref_slice %arg5[%dma_wait3A_523, %dma_wait3A_524] : memref<50x128xi32, #tpu.memory_space<vmem>> -> memref<1x128xi32, #tpu.memory_space<vmem>>
    %dma_wait3A_526 = tpu.memref_squeeze %dma_wait3A_525 : memref<1x128xi32, #tpu.memory_space<vmem>> -> memref<128xi32, #tpu.memory_space<vmem>>
    %dma_wait3A_527 = arith.constant 0 : i32
    %dma_wait3A_528 = arith.constant 0 : i32
    %dma_wait3A_529 = tpu.memref_slice %arg2[%dma_wait3A_527, %dma_wait3A_528] : memref<1000000x128xf32, #tpu.memory_space<hbm>> -> memref<1000000x128xf32, #tpu.memory_space<hbm>>
    tpu.wait_indirect_dma semaphore(%arg8 : memref<!tpu.dma_semaphore, #tpu.memory_space<semaphore_mem>>) src(%dma_wait3A_529 : memref<1000000x128xf32, #tpu.memory_space<hbm>>) dst(%arg6 : memref<128x128xf32, #tpu.memory_space<vmem>>)
    %dma_wait3A_530 = arith.constant 25 : i32
    %dma_wait3A_531 = arith.constant 0 : i32
    %dma_wait3A_532 = tpu.memref_slice %arg5[%dma_wait3A_530, %dma_wait3A_531] : memref<50x128xi32, #tpu.memory_space<vmem>> -> memref<1x128xi32, #tpu.memory_space<vmem>>
    %dma_wait3A_533 = tpu.memref_squeeze %dma_wait3A_532 : memref<1x128xi32, #tpu.memory_space<vmem>> -> memref<128xi32, #tpu.memory_space<vmem>>
    %dma_wait3A_534 = arith.constant 0 : i32
    %dma_wait3A_535 = arith.constant 0 : i32
    %dma_wait3A_536 = tpu.memref_slice %arg2[%dma_wait3A_534, %dma_wait3A_535] : memref<1000000x128xf32, #tpu.memory_space<hbm>> -> memref<1000000x128xf32, #tpu.memory_space<hbm>>
    tpu.wait_indirect_dma semaphore(%arg8 : memref<!tpu.dma_semaphore, #tpu.memory_space<semaphore_mem>>) src(%dma_wait3A_536 : memref<1000000x128xf32, #tpu.memory_space<hbm>>) dst(%arg7 : memref<128x128xf32, #tpu.memory_space<vmem>>)
    %dma_wait3A_537 = arith.constant 26 : i32
    %dma_wait3A_538 = arith.constant 0 : i32
    %dma_wait3A_539 = tpu.memref_slice %arg5[%dma_wait3A_537, %dma_wait3A_538] : memref<50x128xi32, #tpu.memory_space<vmem>> -> memref<1x128xi32, #tpu.memory_space<vmem>>
    %dma_wait3A_540 = tpu.memref_squeeze %dma_wait3A_539 : memref<1x128xi32, #tpu.memory_space<vmem>> -> memref<128xi32, #tpu.memory_space<vmem>>
    %dma_wait3A_541 = arith.constant 0 : i32
    %dma_wait3A_542 = arith.constant 0 : i32
    %dma_wait3A_543 = tpu.memref_slice %arg2[%dma_wait3A_541, %dma_wait3A_542] : memref<1000000x128xf32, #tpu.memory_space<hbm>> -> memref<1000000x128xf32, #tpu.memory_space<hbm>>
    tpu.wait_indirect_dma semaphore(%arg8 : memref<!tpu.dma_semaphore, #tpu.memory_space<semaphore_mem>>) src(%dma_wait3A_543 : memref<1000000x128xf32, #tpu.memory_space<hbm>>) dst(%arg6 : memref<128x128xf32, #tpu.memory_space<vmem>>)
    %dma_wait3A_544 = arith.constant 27 : i32
    %dma_wait3A_545 = arith.constant 0 : i32
    %dma_wait3A_546 = tpu.memref_slice %arg5[%dma_wait3A_544, %dma_wait3A_545] : memref<50x128xi32, #tpu.memory_space<vmem>> -> memref<1x128xi32, #tpu.memory_space<vmem>>
    %dma_wait3A_547 = tpu.memref_squeeze %dma_wait3A_546 : memref<1x128xi32, #tpu.memory_space<vmem>> -> memref<128xi32, #tpu.memory_space<vmem>>
    %dma_wait3A_548 = arith.constant 0 : i32
    %dma_wait3A_549 = arith.constant 0 : i32
    %dma_wait3A_550 = tpu.memref_slice %arg2[%dma_wait3A_548, %dma_wait3A_549] : memref<1000000x128xf32, #tpu.memory_space<hbm>> -> memref<1000000x128xf32, #tpu.memory_space<hbm>>
    tpu.wait_indirect_dma semaphore(%arg8 : memref<!tpu.dma_semaphore, #tpu.memory_space<semaphore_mem>>) src(%dma_wait3A_550 : memref<1000000x128xf32, #tpu.memory_space<hbm>>) dst(%arg7 : memref<128x128xf32, #tpu.memory_space<vmem>>)
    %dma_wait3A_551 = arith.constant 28 : i32
    %dma_wait3A_552 = arith.constant 0 : i32
    %dma_wait3A_553 = tpu.memref_slice %arg5[%dma_wait3A_551, %dma_wait3A_552] : memref<50x128xi32, #tpu.memory_space<vmem>> -> memref<1x128xi32, #tpu.memory_space<vmem>>
    %dma_wait3A_554 = tpu.memref_squeeze %dma_wait3A_553 : memref<1x128xi32, #tpu.memory_space<vmem>> -> memref<128xi32, #tpu.memory_space<vmem>>
    %dma_wait3A_555 = arith.constant 0 : i32
    %dma_wait3A_556 = arith.constant 0 : i32
    %dma_wait3A_557 = tpu.memref_slice %arg2[%dma_wait3A_555, %dma_wait3A_556] : memref<1000000x128xf32, #tpu.memory_space<hbm>> -> memref<1000000x128xf32, #tpu.memory_space<hbm>>
    tpu.wait_indirect_dma semaphore(%arg8 : memref<!tpu.dma_semaphore, #tpu.memory_space<semaphore_mem>>) src(%dma_wait3A_557 : memref<1000000x128xf32, #tpu.memory_space<hbm>>) dst(%arg6 : memref<128x128xf32, #tpu.memory_space<vmem>>)
    %dma_wait3A_558 = arith.constant 29 : i32
    %dma_wait3A_559 = arith.constant 0 : i32
    %dma_wait3A_560 = tpu.memref_slice %arg5[%dma_wait3A_558, %dma_wait3A_559] : memref<50x128xi32, #tpu.memory_space<vmem>> -> memref<1x128xi32, #tpu.memory_space<vmem>>
    %dma_wait3A_561 = tpu.memref_squeeze %dma_wait3A_560 : memref<1x128xi32, #tpu.memory_space<vmem>> -> memref<128xi32, #tpu.memory_space<vmem>>
    %dma_wait3A_562 = arith.constant 0 : i32
    %dma_wait3A_563 = arith.constant 0 : i32
    %dma_wait3A_564 = tpu.memref_slice %arg2[%dma_wait3A_562, %dma_wait3A_563] : memref<1000000x128xf32, #tpu.memory_space<hbm>> -> memref<1000000x128xf32, #tpu.memory_space<hbm>>
    tpu.wait_indirect_dma semaphore(%arg8 : memref<!tpu.dma_semaphore, #tpu.memory_space<semaphore_mem>>) src(%dma_wait3A_564 : memref<1000000x128xf32, #tpu.memory_space<hbm>>) dst(%arg7 : memref<128x128xf32, #tpu.memory_space<vmem>>)
    %dma_wait3A_565 = arith.constant 30 : i32
    %dma_wait3A_566 = arith.constant 0 : i32
    %dma_wait3A_567 = tpu.memref_slice %arg5[%dma_wait3A_565, %dma_wait3A_566] : memref<50x128xi32, #tpu.memory_space<vmem>> -> memref<1x128xi32, #tpu.memory_space<vmem>>
    %dma_wait3A_568 = tpu.memref_squeeze %dma_wait3A_567 : memref<1x128xi32, #tpu.memory_space<vmem>> -> memref<128xi32, #tpu.memory_space<vmem>>
    %dma_wait3A_569 = arith.constant 0 : i32
    %dma_wait3A_570 = arith.constant 0 : i32
    %dma_wait3A_571 = tpu.memref_slice %arg2[%dma_wait3A_569, %dma_wait3A_570] : memref<1000000x128xf32, #tpu.memory_space<hbm>> -> memref<1000000x128xf32, #tpu.memory_space<hbm>>
    tpu.wait_indirect_dma semaphore(%arg8 : memref<!tpu.dma_semaphore, #tpu.memory_space<semaphore_mem>>) src(%dma_wait3A_571 : memref<1000000x128xf32, #tpu.memory_space<hbm>>) dst(%arg6 : memref<128x128xf32, #tpu.memory_space<vmem>>)
    %dma_wait3A_572 = arith.constant 31 : i32
    %dma_wait3A_573 = arith.constant 0 : i32
    %dma_wait3A_574 = tpu.memref_slice %arg5[%dma_wait3A_572, %dma_wait3A_573] : memref<50x128xi32, #tpu.memory_space<vmem>> -> memref<1x128xi32, #tpu.memory_space<vmem>>
    %dma_wait3A_575 = tpu.memref_squeeze %dma_wait3A_574 : memref<1x128xi32, #tpu.memory_space<vmem>> -> memref<128xi32, #tpu.memory_space<vmem>>
    %dma_wait3A_576 = arith.constant 0 : i32
    %dma_wait3A_577 = arith.constant 0 : i32
    %dma_wait3A_578 = tpu.memref_slice %arg2[%dma_wait3A_576, %dma_wait3A_577] : memref<1000000x128xf32, #tpu.memory_space<hbm>> -> memref<1000000x128xf32, #tpu.memory_space<hbm>>
    tpu.wait_indirect_dma semaphore(%arg8 : memref<!tpu.dma_semaphore, #tpu.memory_space<semaphore_mem>>) src(%dma_wait3A_578 : memref<1000000x128xf32, #tpu.memory_space<hbm>>) dst(%arg7 : memref<128x128xf32, #tpu.memory_space<vmem>>)
    %dma_wait3A_579 = arith.constant 32 : i32
    %dma_wait3A_580 = arith.constant 0 : i32
    %dma_wait3A_581 = tpu.memref_slice %arg5[%dma_wait3A_579, %dma_wait3A_580] : memref<50x128xi32, #tpu.memory_space<vmem>> -> memref<1x128xi32, #tpu.memory_space<vmem>>
    %dma_wait3A_582 = tpu.memref_squeeze %dma_wait3A_581 : memref<1x128xi32, #tpu.memory_space<vmem>> -> memref<128xi32, #tpu.memory_space<vmem>>
    %dma_wait3A_583 = arith.constant 0 : i32
    %dma_wait3A_584 = arith.constant 0 : i32
    %dma_wait3A_585 = tpu.memref_slice %arg2[%dma_wait3A_583, %dma_wait3A_584] : memref<1000000x128xf32, #tpu.memory_space<hbm>> -> memref<1000000x128xf32, #tpu.memory_space<hbm>>
    tpu.wait_indirect_dma semaphore(%arg8 : memref<!tpu.dma_semaphore, #tpu.memory_space<semaphore_mem>>) src(%dma_wait3A_585 : memref<1000000x128xf32, #tpu.memory_space<hbm>>) dst(%arg6 : memref<128x128xf32, #tpu.memory_space<vmem>>)
    %dma_wait3A_586 = arith.constant 33 : i32
    %dma_wait3A_587 = arith.constant 0 : i32
    %dma_wait3A_588 = tpu.memref_slice %arg5[%dma_wait3A_586, %dma_wait3A_587] : memref<50x128xi32, #tpu.memory_space<vmem>> -> memref<1x128xi32, #tpu.memory_space<vmem>>
    %dma_wait3A_589 = tpu.memref_squeeze %dma_wait3A_588 : memref<1x128xi32, #tpu.memory_space<vmem>> -> memref<128xi32, #tpu.memory_space<vmem>>
    %dma_wait3A_590 = arith.constant 0 : i32
    %dma_wait3A_591 = arith.constant 0 : i32
    %dma_wait3A_592 = tpu.memref_slice %arg2[%dma_wait3A_590, %dma_wait3A_591] : memref<1000000x128xf32, #tpu.memory_space<hbm>> -> memref<1000000x128xf32, #tpu.memory_space<hbm>>
    tpu.wait_indirect_dma semaphore(%arg8 : memref<!tpu.dma_semaphore, #tpu.memory_space<semaphore_mem>>) src(%dma_wait3A_592 : memref<1000000x128xf32, #tpu.memory_space<hbm>>) dst(%arg7 : memref<128x128xf32, #tpu.memory_space<vmem>>)
    %dma_wait3A_593 = arith.constant 34 : i32
    %dma_wait3A_594 = arith.constant 0 : i32
    %dma_wait3A_595 = tpu.memref_slice %arg5[%dma_wait3A_593, %dma_wait3A_594] : memref<50x128xi32, #tpu.memory_space<vmem>> -> memref<1x128xi32, #tpu.memory_space<vmem>>
    %dma_wait3A_596 = tpu.memref_squeeze %dma_wait3A_595 : memref<1x128xi32, #tpu.memory_space<vmem>> -> memref<128xi32, #tpu.memory_space<vmem>>
    %dma_wait3A_597 = arith.constant 0 : i32
    %dma_wait3A_598 = arith.constant 0 : i32
    %dma_wait3A_599 = tpu.memref_slice %arg2[%dma_wait3A_597, %dma_wait3A_598] : memref<1000000x128xf32, #tpu.memory_space<hbm>> -> memref<1000000x128xf32, #tpu.memory_space<hbm>>
    tpu.wait_indirect_dma semaphore(%arg8 : memref<!tpu.dma_semaphore, #tpu.memory_space<semaphore_mem>>) src(%dma_wait3A_599 : memref<1000000x128xf32, #tpu.memory_space<hbm>>) dst(%arg6 : memref<128x128xf32, #tpu.memory_space<vmem>>)
    %dma_wait3A_600 = arith.constant 35 : i32
    %dma_wait3A_601 = arith.constant 0 : i32
    %dma_wait3A_602 = tpu.memref_slice %arg5[%dma_wait3A_600, %dma_wait3A_601] : memref<50x128xi32, #tpu.memory_space<vmem>> -> memref<1x128xi32, #tpu.memory_space<vmem>>
    %dma_wait3A_603 = tpu.memref_squeeze %dma_wait3A_602 : memref<1x128xi32, #tpu.memory_space<vmem>> -> memref<128xi32, #tpu.memory_space<vmem>>
    %dma_wait3A_604 = arith.constant 0 : i32
    %dma_wait3A_605 = arith.constant 0 : i32
    %dma_wait3A_606 = tpu.memref_slice %arg2[%dma_wait3A_604, %dma_wait3A_605] : memref<1000000x128xf32, #tpu.memory_space<hbm>> -> memref<1000000x128xf32, #tpu.memory_space<hbm>>
    tpu.wait_indirect_dma semaphore(%arg8 : memref<!tpu.dma_semaphore, #tpu.memory_space<semaphore_mem>>) src(%dma_wait3A_606 : memref<1000000x128xf32, #tpu.memory_space<hbm>>) dst(%arg7 : memref<128x128xf32, #tpu.memory_space<vmem>>)
    %dma_wait3A_607 = arith.constant 36 : i32
    %dma_wait3A_608 = arith.constant 0 : i32
    %dma_wait3A_609 = tpu.memref_slice %arg5[%dma_wait3A_607, %dma_wait3A_608] : memref<50x128xi32, #tpu.memory_space<vmem>> -> memref<1x128xi32, #tpu.memory_space<vmem>>
    %dma_wait3A_610 = tpu.memref_squeeze %dma_wait3A_609 : memref<1x128xi32, #tpu.memory_space<vmem>> -> memref<128xi32, #tpu.memory_space<vmem>>
    %dma_wait3A_611 = arith.constant 0 : i32
    %dma_wait3A_612 = arith.constant 0 : i32
    %dma_wait3A_613 = tpu.memref_slice %arg2[%dma_wait3A_611, %dma_wait3A_612] : memref<1000000x128xf32, #tpu.memory_space<hbm>> -> memref<1000000x128xf32, #tpu.memory_space<hbm>>
    tpu.wait_indirect_dma semaphore(%arg8 : memref<!tpu.dma_semaphore, #tpu.memory_space<semaphore_mem>>) src(%dma_wait3A_613 : memref<1000000x128xf32, #tpu.memory_space<hbm>>) dst(%arg6 : memref<128x128xf32, #tpu.memory_space<vmem>>)
    %dma_wait3A_614 = arith.constant 37 : i32
    %dma_wait3A_615 = arith.constant 0 : i32
    %dma_wait3A_616 = tpu.memref_slice %arg5[%dma_wait3A_614, %dma_wait3A_615] : memref<50x128xi32, #tpu.memory_space<vmem>> -> memref<1x128xi32, #tpu.memory_space<vmem>>
    %dma_wait3A_617 = tpu.memref_squeeze %dma_wait3A_616 : memref<1x128xi32, #tpu.memory_space<vmem>> -> memref<128xi32, #tpu.memory_space<vmem>>
    %dma_wait3A_618 = arith.constant 0 : i32
    %dma_wait3A_619 = arith.constant 0 : i32
    %dma_wait3A_620 = tpu.memref_slice %arg2[%dma_wait3A_618, %dma_wait3A_619] : memref<1000000x128xf32, #tpu.memory_space<hbm>> -> memref<1000000x128xf32, #tpu.memory_space<hbm>>
    tpu.wait_indirect_dma semaphore(%arg8 : memref<!tpu.dma_semaphore, #tpu.memory_space<semaphore_mem>>) src(%dma_wait3A_620 : memref<1000000x128xf32, #tpu.memory_space<hbm>>) dst(%arg7 : memref<128x128xf32, #tpu.memory_space<vmem>>)
    %dma_wait3A_621 = arith.constant 38 : i32
    %dma_wait3A_622 = arith.constant 0 : i32
    %dma_wait3A_623 = tpu.memref_slice %arg5[%dma_wait3A_621, %dma_wait3A_622] : memref<50x128xi32, #tpu.memory_space<vmem>> -> memref<1x128xi32, #tpu.memory_space<vmem>>
    %dma_wait3A_624 = tpu.memref_squeeze %dma_wait3A_623 : memref<1x128xi32, #tpu.memory_space<vmem>> -> memref<128xi32, #tpu.memory_space<vmem>>
    %dma_wait3A_625 = arith.constant 0 : i32
    %dma_wait3A_626 = arith.constant 0 : i32
    %dma_wait3A_627 = tpu.memref_slice %arg2[%dma_wait3A_625, %dma_wait3A_626] : memref<1000000x128xf32, #tpu.memory_space<hbm>> -> memref<1000000x128xf32, #tpu.memory_space<hbm>>
    tpu.wait_indirect_dma semaphore(%arg8 : memref<!tpu.dma_semaphore, #tpu.memory_space<semaphore_mem>>) src(%dma_wait3A_627 : memref<1000000x128xf32, #tpu.memory_space<hbm>>) dst(%arg6 : memref<128x128xf32, #tpu.memory_space<vmem>>)
    %dma_wait3A_628 = arith.constant 39 : i32
    %dma_wait3A_629 = arith.constant 0 : i32
    %dma_wait3A_630 = tpu.memref_slice %arg5[%dma_wait3A_628, %dma_wait3A_629] : memref<50x128xi32, #tpu.memory_space<vmem>> -> memref<1x128xi32, #tpu.memory_space<vmem>>
    %dma_wait3A_631 = tpu.memref_squeeze %dma_wait3A_630 : memref<1x128xi32, #tpu.memory_space<vmem>> -> memref<128xi32, #tpu.memory_space<vmem>>
    %dma_wait3A_632 = arith.constant 0 : i32
    %dma_wait3A_633 = arith.constant 0 : i32
    %dma_wait3A_634 = tpu.memref_slice %arg2[%dma_wait3A_632, %dma_wait3A_633] : memref<1000000x128xf32, #tpu.memory_space<hbm>> -> memref<1000000x128xf32, #tpu.memory_space<hbm>>
    tpu.wait_indirect_dma semaphore(%arg8 : memref<!tpu.dma_semaphore, #tpu.memory_space<semaphore_mem>>) src(%dma_wait3A_634 : memref<1000000x128xf32, #tpu.memory_space<hbm>>) dst(%arg7 : memref<128x128xf32, #tpu.memory_space<vmem>>)
    %dma_wait3A_635 = arith.constant 40 : i32
    %dma_wait3A_636 = arith.constant 0 : i32
    %dma_wait3A_637 = tpu.memref_slice %arg5[%dma_wait3A_635, %dma_wait3A_636] : memref<50x128xi32, #tpu.memory_space<vmem>> -> memref<1x128xi32, #tpu.memory_space<vmem>>
    %dma_wait3A_638 = tpu.memref_squeeze %dma_wait3A_637 : memref<1x128xi32, #tpu.memory_space<vmem>> -> memref<128xi32, #tpu.memory_space<vmem>>
    %dma_wait3A_639 = arith.constant 0 : i32
    %dma_wait3A_640 = arith.constant 0 : i32
    %dma_wait3A_641 = tpu.memref_slice %arg2[%dma_wait3A_639, %dma_wait3A_640] : memref<1000000x128xf32, #tpu.memory_space<hbm>> -> memref<1000000x128xf32, #tpu.memory_space<hbm>>
    tpu.wait_indirect_dma semaphore(%arg8 : memref<!tpu.dma_semaphore, #tpu.memory_space<semaphore_mem>>) src(%dma_wait3A_641 : memref<1000000x128xf32, #tpu.memory_space<hbm>>) dst(%arg6 : memref<128x128xf32, #tpu.memory_space<vmem>>)
    %dma_wait3A_642 = arith.constant 41 : i32
    %dma_wait3A_643 = arith.constant 0 : i32
    %dma_wait3A_644 = tpu.memref_slice %arg5[%dma_wait3A_642, %dma_wait3A_643] : memref<50x128xi32, #tpu.memory_space<vmem>> -> memref<1x128xi32, #tpu.memory_space<vmem>>
    %dma_wait3A_645 = tpu.memref_squeeze %dma_wait3A_644 : memref<1x128xi32, #tpu.memory_space<vmem>> -> memref<128xi32, #tpu.memory_space<vmem>>
    %dma_wait3A_646 = arith.constant 0 : i32
    %dma_wait3A_647 = arith.constant 0 : i32
    %dma_wait3A_648 = tpu.memref_slice %arg2[%dma_wait3A_646, %dma_wait3A_647] : memref<1000000x128xf32, #tpu.memory_space<hbm>> -> memref<1000000x128xf32, #tpu.memory_space<hbm>>
    tpu.wait_indirect_dma semaphore(%arg8 : memref<!tpu.dma_semaphore, #tpu.memory_space<semaphore_mem>>) src(%dma_wait3A_648 : memref<1000000x128xf32, #tpu.memory_space<hbm>>) dst(%arg7 : memref<128x128xf32, #tpu.memory_space<vmem>>)
    %dma_wait3A_649 = arith.constant 42 : i32
    %dma_wait3A_650 = arith.constant 0 : i32
    %dma_wait3A_651 = tpu.memref_slice %arg5[%dma_wait3A_649, %dma_wait3A_650] : memref<50x128xi32, #tpu.memory_space<vmem>> -> memref<1x128xi32, #tpu.memory_space<vmem>>
    %dma_wait3A_652 = tpu.memref_squeeze %dma_wait3A_651 : memref<1x128xi32, #tpu.memory_space<vmem>> -> memref<128xi32, #tpu.memory_space<vmem>>
    %dma_wait3A_653 = arith.constant 0 : i32
    %dma_wait3A_654 = arith.constant 0 : i32
    %dma_wait3A_655 = tpu.memref_slice %arg2[%dma_wait3A_653, %dma_wait3A_654] : memref<1000000x128xf32, #tpu.memory_space<hbm>> -> memref<1000000x128xf32, #tpu.memory_space<hbm>>
    tpu.wait_indirect_dma semaphore(%arg8 : memref<!tpu.dma_semaphore, #tpu.memory_space<semaphore_mem>>) src(%dma_wait3A_655 : memref<1000000x128xf32, #tpu.memory_space<hbm>>) dst(%arg6 : memref<128x128xf32, #tpu.memory_space<vmem>>)
    %dma_wait3A_656 = arith.constant 43 : i32
    %dma_wait3A_657 = arith.constant 0 : i32
    %dma_wait3A_658 = tpu.memref_slice %arg5[%dma_wait3A_656, %dma_wait3A_657] : memref<50x128xi32, #tpu.memory_space<vmem>> -> memref<1x128xi32, #tpu.memory_space<vmem>>
    %dma_wait3A_659 = tpu.memref_squeeze %dma_wait3A_658 : memref<1x128xi32, #tpu.memory_space<vmem>> -> memref<128xi32, #tpu.memory_space<vmem>>
    %dma_wait3A_660 = arith.constant 0 : i32
    %dma_wait3A_661 = arith.constant 0 : i32
    %dma_wait3A_662 = tpu.memref_slice %arg2[%dma_wait3A_660, %dma_wait3A_661] : memref<1000000x128xf32, #tpu.memory_space<hbm>> -> memref<1000000x128xf32, #tpu.memory_space<hbm>>
    tpu.wait_indirect_dma semaphore(%arg8 : memref<!tpu.dma_semaphore, #tpu.memory_space<semaphore_mem>>) src(%dma_wait3A_662 : memref<1000000x128xf32, #tpu.memory_space<hbm>>) dst(%arg7 : memref<128x128xf32, #tpu.memory_space<vmem>>)
    %dma_wait3A_663 = arith.constant 44 : i32
    %dma_wait3A_664 = arith.constant 0 : i32
    %dma_wait3A_665 = tpu.memref_slice %arg5[%dma_wait3A_663, %dma_wait3A_664] : memref<50x128xi32, #tpu.memory_space<vmem>> -> memref<1x128xi32, #tpu.memory_space<vmem>>
    %dma_wait3A_666 = tpu.memref_squeeze %dma_wait3A_665 : memref<1x128xi32, #tpu.memory_space<vmem>> -> memref<128xi32, #tpu.memory_space<vmem>>
    %dma_wait3A_667 = arith.constant 0 : i32
    %dma_wait3A_668 = arith.constant 0 : i32
    %dma_wait3A_669 = tpu.memref_slice %arg2[%dma_wait3A_667, %dma_wait3A_668] : memref<1000000x128xf32, #tpu.memory_space<hbm>> -> memref<1000000x128xf32, #tpu.memory_space<hbm>>
    tpu.wait_indirect_dma semaphore(%arg8 : memref<!tpu.dma_semaphore, #tpu.memory_space<semaphore_mem>>) src(%dma_wait3A_669 : memref<1000000x128xf32, #tpu.memory_space<hbm>>) dst(%arg6 : memref<128x128xf32, #tpu.memory_space<vmem>>)
    %dma_wait3A_670 = arith.constant 45 : i32
    %dma_wait3A_671 = arith.constant 0 : i32
    %dma_wait3A_672 = tpu.memref_slice %arg5[%dma_wait3A_670, %dma_wait3A_671] : memref<50x128xi32, #tpu.memory_space<vmem>> -> memref<1x128xi32, #tpu.memory_space<vmem>>
    %dma_wait3A_673 = tpu.memref_squeeze %dma_wait3A_672 : memref<1x128xi32, #tpu.memory_space<vmem>> -> memref<128xi32, #tpu.memory_space<vmem>>
    %dma_wait3A_674 = arith.constant 0 : i32
    %dma_wait3A_675 = arith.constant 0 : i32
    %dma_wait3A_676 = tpu.memref_slice %arg2[%dma_wait3A_674, %dma_wait3A_675] : memref<1000000x128xf32, #tpu.memory_space<hbm>> -> memref<1000000x128xf32, #tpu.memory_space<hbm>>
    tpu.wait_indirect_dma semaphore(%arg8 : memref<!tpu.dma_semaphore, #tpu.memory_space<semaphore_mem>>) src(%dma_wait3A_676 : memref<1000000x128xf32, #tpu.memory_space<hbm>>) dst(%arg7 : memref<128x128xf32, #tpu.memory_space<vmem>>)
    %dma_wait3A_677 = arith.constant 46 : i32
    %dma_wait3A_678 = arith.constant 0 : i32
    %dma_wait3A_679 = tpu.memref_slice %arg5[%dma_wait3A_677, %dma_wait3A_678] : memref<50x128xi32, #tpu.memory_space<vmem>> -> memref<1x128xi32, #tpu.memory_space<vmem>>
    %dma_wait3A_680 = tpu.memref_squeeze %dma_wait3A_679 : memref<1x128xi32, #tpu.memory_space<vmem>> -> memref<128xi32, #tpu.memory_space<vmem>>
    %dma_wait3A_681 = arith.constant 0 : i32
    %dma_wait3A_682 = arith.constant 0 : i32
    %dma_wait3A_683 = tpu.memref_slice %arg2[%dma_wait3A_681, %dma_wait3A_682] : memref<1000000x128xf32, #tpu.memory_space<hbm>> -> memref<1000000x128xf32, #tpu.memory_space<hbm>>
    tpu.wait_indirect_dma semaphore(%arg8 : memref<!tpu.dma_semaphore, #tpu.memory_space<semaphore_mem>>) src(%dma_wait3A_683 : memref<1000000x128xf32, #tpu.memory_space<hbm>>) dst(%arg6 : memref<128x128xf32, #tpu.memory_space<vmem>>)
    %dma_wait3A_684 = arith.constant 47 : i32
    %dma_wait3A_685 = arith.constant 0 : i32
    %dma_wait3A_686 = tpu.memref_slice %arg5[%dma_wait3A_684, %dma_wait3A_685] : memref<50x128xi32, #tpu.memory_space<vmem>> -> memref<1x128xi32, #tpu.memory_space<vmem>>
    %dma_wait3A_687 = tpu.memref_squeeze %dma_wait3A_686 : memref<1x128xi32, #tpu.memory_space<vmem>> -> memref<128xi32, #tpu.memory_space<vmem>>
    %dma_wait3A_688 = arith.constant 0 : i32
    %dma_wait3A_689 = arith.constant 0 : i32
    %dma_wait3A_690 = tpu.memref_slice %arg2[%dma_wait3A_688, %dma_wait3A_689] : memref<1000000x128xf32, #tpu.memory_space<hbm>> -> memref<1000000x128xf32, #tpu.memory_space<hbm>>
    tpu.wait_indirect_dma semaphore(%arg8 : memref<!tpu.dma_semaphore, #tpu.memory_space<semaphore_mem>>) src(%dma_wait3A_690 : memref<1000000x128xf32, #tpu.memory_space<hbm>>) dst(%arg7 : memref<128x128xf32, #tpu.memory_space<vmem>>)
    %dma_wait3A_691 = arith.constant 48 : i32
    %dma_wait3A_692 = arith.constant 0 : i32
    %dma_wait3A_693 = tpu.memref_slice %arg5[%dma_wait3A_691, %dma_wait3A_692] : memref<50x128xi32, #tpu.memory_space<vmem>> -> memref<1x128xi32, #tpu.memory_space<vmem>>
    %dma_wait3A_694 = tpu.memref_squeeze %dma_wait3A_693 : memref<1x128xi32, #tpu.memory_space<vmem>> -> memref<128xi32, #tpu.memory_space<vmem>>
    %dma_wait3A_695 = arith.constant 0 : i32
    %dma_wait3A_696 = arith.constant 0 : i32
    %dma_wait3A_697 = tpu.memref_slice %arg2[%dma_wait3A_695, %dma_wait3A_696] : memref<1000000x128xf32, #tpu.memory_space<hbm>> -> memref<1000000x128xf32, #tpu.memory_space<hbm>>
    tpu.wait_indirect_dma semaphore(%arg8 : memref<!tpu.dma_semaphore, #tpu.memory_space<semaphore_mem>>) src(%dma_wait3A_697 : memref<1000000x128xf32, #tpu.memory_space<hbm>>) dst(%arg6 : memref<128x128xf32, #tpu.memory_space<vmem>>)
    %dma_wait3A_698 = arith.constant 49 : i32
    %dma_wait3A_699 = arith.constant 0 : i32
    %dma_wait3A_700 = tpu.memref_slice %arg5[%dma_wait3A_698, %dma_wait3A_699] : memref<50x128xi32, #tpu.memory_space<vmem>> -> memref<1x128xi32, #tpu.memory_space<vmem>>
    %dma_wait3A_701 = tpu.memref_squeeze %dma_wait3A_700 : memref<1x128xi32, #tpu.memory_space<vmem>> -> memref<128xi32, #tpu.memory_space<vmem>>
    %dma_wait3A_702 = arith.constant 0 : i32
    %dma_wait3A_703 = arith.constant 0 : i32
    %dma_wait3A_704 = tpu.memref_slice %arg2[%dma_wait3A_702, %dma_wait3A_703] : memref<1000000x128xf32, #tpu.memory_space<hbm>> -> memref<1000000x128xf32, #tpu.memory_space<hbm>>
    tpu.wait_indirect_dma semaphore(%arg8 : memref<!tpu.dma_semaphore, #tpu.memory_space<semaphore_mem>>) src(%dma_wait3A_704 : memref<1000000x128xf32, #tpu.memory_space<hbm>>) dst(%arg7 : memref<128x128xf32, #tpu.memory_space<vmem>>)
    %scan3A_705 = arith.constant 0 : i32
    %scan3A_706 = arith.constant 0 : i32
    %scan3A_707 = arith.constant 128 : i32
    %scan3A_708 = arith.addi %scan3A_706, %scan3A_707 : i32
    %scan3A_709 = arith.constant 1 : i32
    scf.for %scan3A_713 = %scan3A_706 to %scan3A_708 step %scan3A_709  : i32 {
      %get3A = arith.index_cast %scan3A_713 : i32 to index
      %get3A_714 = arith.constant 0 : index
      %get3A_715 = tpu.vector_load %arg6[%get3A, %get3A_714] {strides = array<i32>} : memref<128x128xf32, #tpu.memory_space<vmem>>, vector<1x16xf32>,
      %get3A_716 = vector.shape_cast %get3A_715 : vector<1x16xf32> to vector<16xf32>
      %get3A_717 = arith.index_cast %scan3A_713 : i32 to index
      %get3A_718 = arith.constant 0 : index
      %get3A_719 = tpu.vector_load %arg7[%get3A_717, %get3A_718] {strides = array<i32>} : memref<128x128xf32, #tpu.memory_space<vmem>>, vector<1x16xf32>,
      %get3A_720 = vector.shape_cast %get3A_719 : vector<1x16xf32> to vector<16xf32>
      %add3A_721 = arith.addf %get3A_716, %get3A_720 : vector<16xf32>
      %swap3A = arith.index_cast %scan3A_713 : i32 to index
      %swap3A_722 = arith.constant 0 : index
      %swap3A_723 = tpu.vector_load %arg6[%swap3A, %swap3A_722] {strides = array<i32>} : memref<128x128xf32, #tpu.memory_space<vmem>>, vector<1x16xf32>,
      %swap3A_724 = vector.shape_cast %swap3A_723 : vector<1x16xf32> to vector<16xf32>
      %swap3A_725 = vector.shape_cast %add3A_721 : vector<16xf32> to vector<1x16xf32>
      tpu.vector_store %arg6[%swap3A, %swap3A_722], %swap3A_725 {strides = array<i32>} : memref<128x128xf32, #tpu.memory_space<vmem>>, vector<1x16xf32>,
      %get3A_726 = arith.index_cast %scan3A_713 : i32 to index
      %get3A_727 = arith.constant 16 : index
      %get3A_728 = tpu.vector_load %arg6[%get3A_726, %get3A_727] {strides = array<i32>} : memref<128x128xf32, #tpu.memory_space<vmem>>, vector<1x16xf32>,
      %get3A_729 = vector.shape_cast %get3A_728 : vector<1x16xf32> to vector<16xf32>
      %get3A_730 = arith.index_cast %scan3A_713 : i32 to index
      %get3A_731 = arith.constant 16 : index
      %get3A_732 = tpu.vector_load %arg7[%get3A_730, %get3A_731] {strides = array<i32>} : memref<128x128xf32, #tpu.memory_space<vmem>>, vector<1x16xf32>,
      %get3A_733 = vector.shape_cast %get3A_732 : vector<1x16xf32> to vector<16xf32>
      %add3A_734 = arith.addf %get3A_729, %get3A_733 : vector<16xf32>
      %swap3A_735 = arith.index_cast %scan3A_713 : i32 to index
      %swap3A_736 = arith.constant 16 : index
      %swap3A_737 = tpu.vector_load %arg6[%swap3A_735, %swap3A_736] {strides = array<i32>} : memref<128x128xf32, #tpu.memory_space<vmem>>, vector<1x16xf32>,
      %swap3A_738 = vector.shape_cast %swap3A_737 : vector<1x16xf32> to vector<16xf32>
      %swap3A_739 = vector.shape_cast %add3A_734 : vector<16xf32> to vector<1x16xf32>
      tpu.vector_store %arg6[%swap3A_735, %swap3A_736], %swap3A_739 {strides = array<i32>} : memref<128x128xf32, #tpu.memory_space<vmem>>, vector<1x16xf32>,
      %get3A_740 = arith.index_cast %scan3A_713 : i32 to index
      %get3A_741 = arith.constant 32 : index
      %get3A_742 = tpu.vector_load %arg6[%get3A_740, %get3A_741] {strides = array<i32>} : memref<128x128xf32, #tpu.memory_space<vmem>>, vector<1x16xf32>,
      %get3A_743 = vector.shape_cast %get3A_742 : vector<1x16xf32> to vector<16xf32>
      %get3A_744 = arith.index_cast %scan3A_713 : i32 to index
      %get3A_745 = arith.constant 32 : index
      %get3A_746 = tpu.vector_load %arg7[%get3A_744, %get3A_745] {strides = array<i32>} : memref<128x128xf32, #tpu.memory_space<vmem>>, vector<1x16xf32>,
      %get3A_747 = vector.shape_cast %get3A_746 : vector<1x16xf32> to vector<16xf32>
      %add3A_748 = arith.addf %get3A_743, %get3A_747 : vector<16xf32>
      %swap3A_749 = arith.index_cast %scan3A_713 : i32 to index
      %swap3A_750 = arith.constant 32 : index
      %swap3A_751 = tpu.vector_load %arg6[%swap3A_749, %swap3A_750] {strides = array<i32>} : memref<128x128xf32, #tpu.memory_space<vmem>>, vector<1x16xf32>,
      %swap3A_752 = vector.shape_cast %swap3A_751 : vector<1x16xf32> to vector<16xf32>
      %swap3A_753 = vector.shape_cast %add3A_748 : vector<16xf32> to vector<1x16xf32>
      tpu.vector_store %arg6[%swap3A_749, %swap3A_750], %swap3A_753 {strides = array<i32>} : memref<128x128xf32, #tpu.memory_space<vmem>>, vector<1x16xf32>,
      %get3A_754 = arith.index_cast %scan3A_713 : i32 to index
      %get3A_755 = arith.constant 48 : index
      %get3A_756 = tpu.vector_load %arg6[%get3A_754, %get3A_755] {strides = array<i32>} : memref<128x128xf32, #tpu.memory_space<vmem>>, vector<1x16xf32>,
      %get3A_757 = vector.shape_cast %get3A_756 : vector<1x16xf32> to vector<16xf32>
      %get3A_758 = arith.index_cast %scan3A_713 : i32 to index
      %get3A_759 = arith.constant 48 : index
      %get3A_760 = tpu.vector_load %arg7[%get3A_758, %get3A_759] {strides = array<i32>} : memref<128x128xf32, #tpu.memory_space<vmem>>, vector<1x16xf32>,
      %get3A_761 = vector.shape_cast %get3A_760 : vector<1x16xf32> to vector<16xf32>
      %add3A_762 = arith.addf %get3A_757, %get3A_761 : vector<16xf32>
      %swap3A_763 = arith.index_cast %scan3A_713 : i32 to index
      %swap3A_764 = arith.constant 48 : index
      %swap3A_765 = tpu.vector_load %arg6[%swap3A_763, %swap3A_764] {strides = array<i32>} : memref<128x128xf32, #tpu.memory_space<vmem>>, vector<1x16xf32>,
      %swap3A_766 = vector.shape_cast %swap3A_765 : vector<1x16xf32> to vector<16xf32>
      %swap3A_767 = vector.shape_cast %add3A_762 : vector<16xf32> to vector<1x16xf32>
      tpu.vector_store %arg6[%swap3A_763, %swap3A_764], %swap3A_767 {strides = array<i32>} : memref<128x128xf32, #tpu.memory_space<vmem>>, vector<1x16xf32>,
      %get3A_768 = arith.index_cast %scan3A_713 : i32 to index
      %get3A_769 = arith.constant 64 : index
      %get3A_770 = tpu.vector_load %arg6[%get3A_768, %get3A_769] {strides = array<i32>} : memref<128x128xf32, #tpu.memory_space<vmem>>, vector<1x16xf32>,
      %get3A_771 = vector.shape_cast %get3A_770 : vector<1x16xf32> to vector<16xf32>
      %get3A_772 = arith.index_cast %scan3A_713 : i32 to index
      %get3A_773 = arith.constant 64 : index
      %get3A_774 = tpu.vector_load %arg7[%get3A_772, %get3A_773] {strides = array<i32>} : memref<128x128xf32, #tpu.memory_space<vmem>>, vector<1x16xf32>,
      %get3A_775 = vector.shape_cast %get3A_774 : vector<1x16xf32> to vector<16xf32>
      %add3A_776 = arith.addf %get3A_771, %get3A_775 : vector<16xf32>
      %swap3A_777 = arith.index_cast %scan3A_713 : i32 to index
      %swap3A_778 = arith.constant 64 : index
      %swap3A_779 = tpu.vector_load %arg6[%swap3A_777, %swap3A_778] {strides = array<i32>} : memref<128x128xf32, #tpu.memory_space<vmem>>, vector<1x16xf32>,
      %swap3A_780 = vector.shape_cast %swap3A_779 : vector<1x16xf32> to vector<16xf32>
      %swap3A_781 = vector.shape_cast %add3A_776 : vector<16xf32> to vector<1x16xf32>
      tpu.vector_store %arg6[%swap3A_777, %swap3A_778], %swap3A_781 {strides = array<i32>} : memref<128x128xf32, #tpu.memory_space<vmem>>, vector<1x16xf32>,
      %get3A_782 = arith.index_cast %scan3A_713 : i32 to index
      %get3A_783 = arith.constant 80 : index
      %get3A_784 = tpu.vector_load %arg6[%get3A_782, %get3A_783] {strides = array<i32>} : memref<128x128xf32, #tpu.memory_space<vmem>>, vector<1x16xf32>,
      %get3A_785 = vector.shape_cast %get3A_784 : vector<1x16xf32> to vector<16xf32>
      %get3A_786 = arith.index_cast %scan3A_713 : i32 to index
      %get3A_787 = arith.constant 80 : index
      %get3A_788 = tpu.vector_load %arg7[%get3A_786, %get3A_787] {strides = array<i32>} : memref<128x128xf32, #tpu.memory_space<vmem>>, vector<1x16xf32>,
      %get3A_789 = vector.shape_cast %get3A_788 : vector<1x16xf32> to vector<16xf32>
      %add3A_790 = arith.addf %get3A_785, %get3A_789 : vector<16xf32>
      %swap3A_791 = arith.index_cast %scan3A_713 : i32 to index
      %swap3A_792 = arith.constant 80 : index
      %swap3A_793 = tpu.vector_load %arg6[%swap3A_791, %swap3A_792] {strides = array<i32>} : memref<128x128xf32, #tpu.memory_space<vmem>>, vector<1x16xf32>,
      %swap3A_794 = vector.shape_cast %swap3A_793 : vector<1x16xf32> to vector<16xf32>
      %swap3A_795 = vector.shape_cast %add3A_790 : vector<16xf32> to vector<1x16xf32>
      tpu.vector_store %arg6[%swap3A_791, %swap3A_792], %swap3A_795 {strides = array<i32>} : memref<128x128xf32, #tpu.memory_space<vmem>>, vector<1x16xf32>,
      %get3A_796 = arith.index_cast %scan3A_713 : i32 to index
      %get3A_797 = arith.constant 96 : index
      %get3A_798 = tpu.vector_load %arg6[%get3A_796, %get3A_797] {strides = array<i32>} : memref<128x128xf32, #tpu.memory_space<vmem>>, vector<1x16xf32>,
      %get3A_799 = vector.shape_cast %get3A_798 : vector<1x16xf32> to vector<16xf32>
      %get3A_800 = arith.index_cast %scan3A_713 : i32 to index
      %get3A_801 = arith.constant 96 : index
      %get3A_802 = tpu.vector_load %arg7[%get3A_800, %get3A_801] {strides = array<i32>} : memref<128x128xf32, #tpu.memory_space<vmem>>, vector<1x16xf32>,
      %get3A_803 = vector.shape_cast %get3A_802 : vector<1x16xf32> to vector<16xf32>
      %add3A_804 = arith.addf %get3A_799, %get3A_803 : vector<16xf32>
      %swap3A_805 = arith.index_cast %scan3A_713 : i32 to index
      %swap3A_806 = arith.constant 96 : index
      %swap3A_807 = tpu.vector_load %arg6[%swap3A_805, %swap3A_806] {strides = array<i32>} : memref<128x128xf32, #tpu.memory_space<vmem>>, vector<1x16xf32>,
      %swap3A_808 = vector.shape_cast %swap3A_807 : vector<1x16xf32> to vector<16xf32>
      %swap3A_809 = vector.shape_cast %add3A_804 : vector<16xf32> to vector<1x16xf32>
      tpu.vector_store %arg6[%swap3A_805, %swap3A_806], %swap3A_809 {strides = array<i32>} : memref<128x128xf32, #tpu.memory_space<vmem>>, vector<1x16xf32>,
      %get3A_810 = arith.index_cast %scan3A_713 : i32 to index
      %get3A_811 = arith.constant 112 : index
      %get3A_812 = tpu.vector_load %arg6[%get3A_810, %get3A_811] {strides = array<i32>} : memref<128x128xf32, #tpu.memory_space<vmem>>, vector<1x16xf32>,
      %get3A_813 = vector.shape_cast %get3A_812 : vector<1x16xf32> to vector<16xf32>
      %get3A_814 = arith.index_cast %scan3A_713 : i32 to index
      %get3A_815 = arith.constant 112 : index
      %get3A_816 = tpu.vector_load %arg7[%get3A_814, %get3A_815] {strides = array<i32>} : memref<128x128xf32, #tpu.memory_space<vmem>>, vector<1x16xf32>,
      %get3A_817 = vector.shape_cast %get3A_816 : vector<1x16xf32> to vector<16xf32>
      %add3A_818 = arith.addf %get3A_813, %get3A_817 : vector<16xf32>
      %swap3A_819 = arith.index_cast %scan3A_713 : i32 to index
      %swap3A_820 = arith.constant 112 : index
      %swap3A_821 = tpu.vector_load %arg6[%swap3A_819, %swap3A_820] {strides = array<i32>} : memref<128x128xf32, #tpu.memory_space<vmem>>, vector<1x16xf32>,
      %swap3A_822 = vector.shape_cast %swap3A_821 : vector<1x16xf32> to vector<16xf32>
      %swap3A_823 = vector.shape_cast %add3A_818 : vector<16xf32> to vector<1x16xf32>
      tpu.vector_store %arg6[%swap3A_819, %swap3A_820], %swap3A_823 {strides = array<i32>} : memref<128x128xf32, #tpu.memory_space<vmem>>, vector<1x16xf32>,
    }
    %scan3A_710 = arith.constant 128 : i32
    %mul3A_711 = arith.constant 128 : i32
    %mul3A_712 = arith.muli %add3A, %mul3A_711 : i32
    "tpu.region"() ({
      %run_scoped3A = tpu.sem_alloc : memref<!tpu.dma_semaphore, #tpu.memory_space<semaphore_mem>>
      %dma_start3A_713 = arith.constant 0 : i32
      %dma_start3A_714 = tpu.memref_slice %arg4[%mul3A_712, %dma_start3A_713] : memref<4096x128xf32, #tpu.memory_space<hbm>> -> memref<128x128xf32, #tpu.memory_space<hbm>>
      %dma_start3A_715 = arith.constant 0 : i32
      %dma_start3A_716 = tpu.memref_slice %arg4[%mul3A_712, %dma_start3A_715] : memref<4096x128xf32, #tpu.memory_space<hbm>> -> memref<128x128xf32, #tpu.memory_space<hbm>>
      tpu.enqueue_dma source(%arg6 : memref<128x128xf32, #tpu.memory_space<vmem>>) target(%dma_start3A_716 : memref<128x128xf32, #tpu.memory_space<hbm>>) target_semaphore(%run_scoped3A : memref<!tpu.dma_semaphore, #tpu.memory_space<semaphore_mem>>)
      %dma_wait3A_717 = arith.constant 0 : i32
      %dma_wait3A_718 = tpu.memref_slice %arg4[%mul3A_712, %dma_wait3A_717] : memref<4096x128xf32, #tpu.memory_space<hbm>> -> memref<128x128xf32, #tpu.memory_space<hbm>>
      %dma_wait3A_719 = arith.constant 0 : i32
      %dma_wait3A_720 = tpu.memref_slice %arg4[%mul3A_712, %dma_wait3A_719] : memref<4096x128xf32, #tpu.memory_space<hbm>> -> memref<128x128xf32, #tpu.memory_space<hbm>>
      tpu.wait_dma2 semaphore(%run_scoped3A : memref<!tpu.dma_semaphore, #tpu.memory_space<semaphore_mem>>) src(%arg6 : memref<128x128xf32, #tpu.memory_space<vmem>>) dst(%dma_wait3A_720 : memref<128x128xf32, #tpu.memory_space<hbm>>)
      tpu.yield
    }) : () -> ()
    return
  }
}

module attributes {stable_mosaic.version = 14 : i64} {
  func.func @_mlp_body(%arg0: i32, %arg1: memref<512x128xf32, #tpu.memory_space<vmem>>, %arg2: memref<512x128xf32, #tpu.memory_space<vmem>>, %arg3: memref<64x256xf32, #tpu.memory_space<vmem>>, %arg4: memref<128x256xf32, #tpu.memory_space<vmem>>, %arg5: memref<1x256xf32, #tpu.memory_space<vmem>>, %arg6: memref<256x128xf32, #tpu.memory_space<vmem>>, %arg7: memref<1x128xf32, #tpu.memory_space<vmem>>, %arg8: memref<512x128xf32, #tpu.memory_space<vmem>>) attributes {dimension_semantics = [#tpu.dimension_semantics<arbitrary>], iteration_bounds = array<i64: 8>, scalar_prefetch = 0 : i64, scratch_operands = 0 : i64, tpu.core_type = #tpu.core_type<tc>, window_params = [{transform_indices = @transform_0, window_bounds = array<i64: 512, 128>}, {transform_indices = @transform_1, window_bounds = array<i64: 512, 128>}, {pipeline_mode = #tpu.pipeline_mode<synchronous>, transform_indices = @transform_2, window_bounds = array<i64: 64, 256>}, {pipeline_mode = #tpu.pipeline_mode<synchronous>, transform_indices = @transform_3, window_bounds = array<i64: 128, 256>}, {pipeline_mode = #tpu.pipeline_mode<synchronous>, transform_indices = @transform_4, window_bounds = array<i64: 1, 256>}, {pipeline_mode = #tpu.pipeline_mode<synchronous>, transform_indices = @transform_5, window_bounds = array<i64: 256, 128>}, {pipeline_mode = #tpu.pipeline_mode<synchronous>, transform_indices = @transform_6, window_bounds = array<i64: 1, 128>}, {transform_indices = @transform_7, window_bounds = array<i64: 512, 128>}]} {
    %get3A = arith.constant 0 : index
    %get3A_0 = arith.constant 0 : index
    %get3A_1 = vector.load %arg1[%get3A, %get3A_0] : memref<512x128xf32, #tpu.memory_space<vmem>>, vector<512x64xf32>
    %get3A_2 = arith.constant 0 : index
    %get3A_3 = arith.constant 0 : index
    %get3A_4 = vector.load %arg3[%get3A_2, %get3A_3] : memref<64x256xf32, #tpu.memory_space<vmem>>, vector<64x256xf32>
    %dot_general3A = arith.constant dense<0.000000e+00> : vector<512x256xf32>
    %dot_general3A_5 = tpu.matmul %get3A_1, %get3A_4, %dot_general3A {dimension_numbers = #tpu.dot_dimension_numbers<[1], [0], [0], [1], [0, 0, 1, 1], [], []>, transpose_lhs_hint = false} : vector<512x64xf32>, vector<64x256xf32>, vector<512x256xf32> -> vector<512x256xf32>
    %get3A_6 = arith.constant 0 : index
    %get3A_7 = arith.constant 0 : index
    %get3A_8 = vector.load %arg2[%get3A_6, %get3A_7] : memref<512x128xf32, #tpu.memory_space<vmem>>, vector<512x128xf32>
    %get3A_9 = arith.constant 0 : index
    %get3A_10 = arith.constant 0 : index
    %get3A_11 = vector.load %arg4[%get3A_9, %get3A_10] : memref<128x256xf32, #tpu.memory_space<vmem>>, vector<128x256xf32>
    %dot_general3A_12 = arith.constant dense<0.000000e+00> : vector<512x256xf32>
    %dot_general3A_13 = tpu.matmul %get3A_8, %get3A_11, %dot_general3A_12 {dimension_numbers = #tpu.dot_dimension_numbers<[1], [0], [0], [1], [0, 0, 1, 1], [], []>, transpose_lhs_hint = false} : vector<512x128xf32>, vector<128x256xf32>, vector<512x256xf32> -> vector<512x256xf32>
    %add3A = arith.addf %dot_general3A_5, %dot_general3A_13 : vector<512x256xf32>
    %get3A_14 = arith.constant 0 : index
    %get3A_15 = arith.constant 0 : index
    %get3A_16 = vector.load %arg5[%get3A_14, %get3A_15] : memref<1x256xf32, #tpu.memory_space<vmem>>, vector<1x256xf32>
    %add3A_17 = vector.broadcast %get3A_16 : vector<1x256xf32> to vector<512x256xf32>
    %add3A_18 = arith.addf %add3A, %add3A_17 : vector<512x256xf32>
    %max3A = arith.constant 0.000000e+00 : f32
    %max3A_19 = vector.broadcast %max3A : f32 to vector<512x256xf32>
    %max3A_20 = arith.maximumf %add3A_18, %max3A_19 : vector<512x256xf32>
    %get3A_21 = arith.constant 0 : index
    %get3A_22 = arith.constant 0 : index
    %get3A_23 = vector.load %arg6[%get3A_21, %get3A_22] : memref<256x128xf32, #tpu.memory_space<vmem>>, vector<256x128xf32>
    %dot_general3A_24 = arith.constant dense<0.000000e+00> : vector<512x128xf32>
    %dot_general3A_25 = tpu.matmul %max3A_20, %get3A_23, %dot_general3A_24 {dimension_numbers = #tpu.dot_dimension_numbers<[1], [0], [0], [1], [0, 0, 1, 1], [], []>, transpose_lhs_hint = false} : vector<512x256xf32>, vector<256x128xf32>, vector<512x128xf32> -> vector<512x128xf32>
    %get3A_26 = arith.constant 0 : index
    %get3A_27 = arith.constant 0 : index
    %get3A_28 = vector.load %arg7[%get3A_26, %get3A_27] : memref<1x128xf32, #tpu.memory_space<vmem>>, vector<1x128xf32>
    %add3A_29 = vector.broadcast %get3A_28 : vector<1x128xf32> to vector<512x128xf32>
    %add3A_30 = arith.addf %dot_general3A_25, %add3A_29 : vector<512x128xf32>
    %max3A_31 = arith.constant 0.000000e+00 : f32
    %max3A_32 = vector.broadcast %max3A_31 : f32 to vector<512x128xf32>
    %max3A_33 = arith.maximumf %add3A_30, %max3A_32 : vector<512x128xf32>
    %swap3A = arith.constant 0 : index
    %swap3A_34 = arith.constant 0 : index
    %swap3A_35 = vector.load %arg8[%swap3A, %swap3A_34] : memref<512x128xf32, #tpu.memory_space<vmem>>, vector<512x128xf32>
    tpu.vector_store %arg8[%swap3A, %swap3A_34], %max3A_33 {strides = array<i32>} : memref<512x128xf32, #tpu.memory_space<vmem>>, vector<512x128xf32>,
    return
  }
  func.func @transform_0(%arg0: i32) -> (i32, i32) {
    %c0_i32 = arith.constant 0 : i32
    %c0_i32_0 = arith.constant 0 : i32
    return %arg0, %c0_i32 : i32, i32
  }
  func.func @transform_1(%arg0: i32) -> (i32, i32) {
    %c0_i32 = arith.constant 0 : i32
    %c0_i32_0 = arith.constant 0 : i32
    return %arg0, %c0_i32 : i32, i32
  }
  func.func @transform_2(%arg0: i32) -> (i32, i32) {
    %c0_i32 = arith.constant 0 : i32
    %c0_i32_0 = arith.constant 0 : i32
    %c0_i32_1 = arith.constant 0 : i32
    return %c0_i32, %c0_i32_0 : i32, i32
  }
  func.func @transform_3(%arg0: i32) -> (i32, i32) {
    %c0_i32 = arith.constant 0 : i32
    %c0_i32_0 = arith.constant 0 : i32
    %c0_i32_1 = arith.constant 0 : i32
    return %c0_i32, %c0_i32_0 : i32, i32
  }
  func.func @transform_4(%arg0: i32) -> (i32, i32) {
    %c0_i32 = arith.constant 0 : i32
    %c0_i32_0 = arith.constant 0 : i32
    %c0_i32_1 = arith.constant 0 : i32
    return %c0_i32, %c0_i32_0 : i32, i32
  }
  func.func @transform_5(%arg0: i32) -> (i32, i32) {
    %c0_i32 = arith.constant 0 : i32
    %c0_i32_0 = arith.constant 0 : i32
    %c0_i32_1 = arith.constant 0 : i32
    return %c0_i32, %c0_i32_0 : i32, i32
  }
  func.func @transform_6(%arg0: i32) -> (i32, i32) {
    %c0_i32 = arith.constant 0 : i32
    %c0_i32_0 = arith.constant 0 : i32
    %c0_i32_1 = arith.constant 0 : i32
    return %c0_i32, %c0_i32_0 : i32, i32
  }
  func.func @transform_7(%arg0: i32) -> (i32, i32) {
    %c0_i32 = arith.constant 0 : i32
    %c0_i32_0 = arith.constant 0 : i32
    return %arg0, %c0_i32 : i32, i32
  }
}

</mosaic_0001>

<sc_bundles>
// kernel: kernel.4.cloned.1.call-start
scs
__scs_entry_jumppad:
0x0: {  	(pc) =	sbr.rel $0x88, $3  }
0x1: {  	(tag) =	ssettag $0x0;
	lr =	simm.s32 $0x1  }
0x2: {  	[smem:$0x3F9A] =	sst lr;
	_ =	strace $0xD0000000  }
0x3: {  	_ = 	snop  }
0x4: {  	_ = 	snop  }
0x5: {  	_ = 	snop  }
0x6: {  	_ = 	snop  }
0x7: {  	_ = 	snop  }
__scs_overlays_trampoline_lowered:
0x8: {  	[smem:$0x3FA9] =	sst s0  }
0x9: {  	[smem:$0x3FAA] =	sst s1  }
0xa: {  	[smem:$0x3FAB] =	sst s2  }
0xb: {  	[smem:$0x3FAC] =	sst s3  }
0xc: {  	[smem:$0x3FAD] =	sst s4  }
0xd: {  	[smem:$0x3FAE] =	sst s5  }
0xe: {  	[smem:$0x3FAF] =	sst s6  }
0xf: {  	[smem:$0x3FB0] =	sst s7  }
0x10: {  	[smem:$0x3FB1] =	sst s8  }
0x11: {  	[smem:$0x3FB2] =	sst s9;
	s0 =	simm.s32 @!p0 $0x0  }
0x12: {  	s1 =	sld [smem:$0x3F98];
	s0 =	simm.s32 @p0 $0x1  }
0x13: {  	[smem:$0x3FB3] =	sst s0;
	s0 =	simm.s32 @!p1 $0x0  }
0x14: {  	s2 =	sld [smem:$0x3F97];
	s0 =	simm.s32 @p1 $0x1  }
0x15: {  	[smem:$0x3FB4] =	sst s0;
	s0 =	simm.s32 @!p2 $0x0  }
0x16: {  	s3 =	sld [smem:$0x3FDB];
	s0 =	simm.s32 @p2 $0x1  }
0x17: {  	s4 =	simm.s32 $0x1BF5;
	[smem:$0x3FB6] =	sst s0  }
0x18: {  	s0 =	sld [smem:$0x3F99];
	_ =	swait.ge [sflag:s4], $0x0  }
0x19: {  	s7 =	sld [smem:$0x3F9A]  }
0x1a: {  	s8 =	sadd.s32 $0xFFFFE003, lr  }
0x1b: {  	s9 =	sadd.s32 $0xFFFFFEF7, lr;
	s5 =	simm.s32 $0xFFFFFFFF;
	p2 =	slt.u32 s8, $0xFFFFF086  }
0x1c: {  	p1 =	slt.u32 s9, $0xF7A;
	s5 =	simm.s32 @!p2 $0x0  }
0x1d: {  	s5 =	simm.s32 @p1 $0x1;
	p0 =	seq.s32 s7, s2  }
0x1e: {  	s7 =	smul.u32 @!p0 $0xF7A, s2;
	p2 =	seq.s32 @!p0 s5, $0x0  }
0x1f: {  	s9 =	smul.u32 $0xF7A, s1;
	s8 =	simm.s32 @!p0 $0x1BF5;
	p2 =	por !p2, p0  }
0x20: {  	[sflag:s8] =	ssyncset.s32 @!p0 $0xFFFFF086;
	s6 =	sadd.s32 @!p0 s3, s7;
	s7 =	simm.s32 @!p0 $0x108  }
0x21: {  	s3 =	sadd.s32 s3, s9;
	s6 =	sadd.s32 @!p0 $0x88, s6;
	s7 =	simm.s32 @p2 $0x1082  }
0x22: {  	[simem:s7], [sflag:s8] =	dma.local @!p0 [hbm:s6], $0xF7A  }
0x23: {  	s9 =	sor.u32 $0xD0000000, s2;
	s6 =	simm.s32 $0x108;
	_ =	swait.ge @!p0 [sflag:s8], $0x0  }
0x24: {  	s3 =	sadd.s32 $0x88, s3;
	s6 =	simm.s32 @!p1 $0x1082;
	[sflag:s4] =	ssyncset.s32 $0xFFFFF086  }
0x25: {  	[simem:s6], [sflag:s4] =	dma.local [hbm:s3], $0xF7A  }
0x26: {  	[smem:$0x3F9A] =	sst s1;
	(tag) =	ssettag s2;
	_ =	strace s9  }
0x27: {  	s1 =	sld [smem:$0x3FAA]  }
0x28: {  	s2 =	sld [smem:$0x3FAB]  }
0x29: {  	s4 =	sld [smem:$0x3FAD]  }
0x2a: {  	p0 =	seq.s32 s5, $0x0;
	s5 =	sld [smem:$0x3FAE]  }
0x2b: {  	s6 =	sld [smem:$0x3FAF]  }
0x2c: {  	s7 =	sld [smem:$0x3FB0]  }
0x2d: {  	s3 =	simm.s32 $0x108;
	s8 =	sld [smem:$0x3FB1]  }
0x2e: {  	s3 =	simm.s32 @!p0 $0x1082;
	s9 =	sld [smem:$0x3FB2]  }
0x2f: {  	lr =	sadd.s32 s0, s3;
	s0 =	sld [smem:$0x3FA9]  }
0x30: {  	s3 =	sld [smem:$0x3FAC]  }
0x31: {  	[smem:$0x3FB5] =	sst s10  }
0x32: {  	s10 =	sld [smem:$0x3FB3];
	_ =	sdelay $0x3  }
0x33: {  	p0 =	seq.s32 s10, $0x1;
	s10 =	sld [smem:$0x3FB5];
	_ =	sdelay $0x3  }
0x34: {  	[smem:$0x3FB5] =	sst s10  }
0x35: {  	s10 =	sld [smem:$0x3FB4];
	_ =	sdelay $0x3  }
0x36: {  	p1 =	seq.s32 s10, $0x1;
	s10 =	sld [smem:$0x3FB5];
	_ =	sdelay $0x3  }
0x37: {  	[smem:$0x3FB5] =	sst s10  }
0x38: {  	s10 =	sld [smem:$0x3FB6]  }
0x39: {  	_ = 	snop;
	(pc) =	sbr.ind lr, $3  }
0x3a: {  	_ = 	snop  }
0x3b: {  	_ = 	snop  }
0x3c: {  	p2 =	seq.s32 s10, $0x1;
	s10 =	sld [smem:$0x3FB5]  }
0x3d: {  	_ =	shalt  }
0x3e: {  	_ =	shalt  }
0x3f: {  	_ =	shalt  }
0x40: {  	_ =	shalt  }
0x41: {  	_ =	shalt  }
0x42: {  	_ =	shalt  }
0x43: {  	_ =	shalt  }
0x44: {  	_ =	shalt  }
0x45: {  	_ =	shalt  }
0x46: {  	_ =	shalt  }
0x47: {  	_ =	shalt  }
0x48: {  	_ =	shalt  }
0x49: {  	_ =	shalt  }
0x4a: {  	_ =	shalt  }
0x4b: {  	_ =	shalt  }
0x4c: {  	_ =	shalt  }
0x4d: {  	_ =	shalt  }
0x4e: {  	_ =	shalt  }
0x4f: {  	_ =	shalt  }
0x50: {  	_ =	shalt  }
0x51: {  	_ =	shalt  }
0x52: {  	_ =	shalt  }
0x53: {  	_ =	shalt  }
0x54: {  	_ =	shalt  }
0x55: {  	_ =	shalt  }
0x56: {  	_ =	shalt  }
0x57: {  	_ =	shalt  }
0x58: {  	_ =	shalt  }
0x59: {  	_ =	shalt  }
0x5a: {  	_ =	shalt  }
0x5b: {  	_ =	shalt  }
0x5c: {  	_ =	shalt  }
0x5d: {  	_ =	shalt  }
0x5e: {  	_ =	shalt  }
0x5f: {  	_ =	shalt  }
0x60: {  	_ =	shalt  }
0x61: {  	_ =	shalt  }
0x62: {  	_ =	shalt  }
0x63: {  	_ =	shalt  }
0x64: {  	_ =	shalt  }
0x65: {  	_ =	shalt  }
0x66: {  	_ =	shalt  }
0x67: {  	_ =	shalt  }
0x68: {  	_ =	shalt  }
0x69: {  	_ =	shalt  }
0x6a: {  	_ =	shalt  }
0x6b: {  	_ =	shalt  }
0x6c: {  	_ =	shalt  }
0x6d: {  	_ =	shalt  }
0x6e: {  	_ =	shalt  }
0x6f: {  	_ =	shalt  }
0x70: {  	_ =	shalt  }
0x71: {  	_ =	shalt  }
0x72: {  	_ =	shalt  }
0x73: {  	_ =	shalt  }
0x74: {  	_ =	shalt  }
0x75: {  	_ =	shalt  }
0x76: {  	_ =	shalt  }
0x77: {  	_ =	shalt  }
0x78: {  	_ =	shalt  }
0x79: {  	_ =	shalt  }
0x7a: {  	_ =	shalt  }
0x7b: {  	_ =	shalt  }
0x7c: {  	_ =	shalt  }
0x7d: {  	_ =	shalt  }
0x7e: {  	_ =	shalt  }
0x7f: {  	_ =	shalt  }
0x80: {  	_ =	shalt  }
0x81: {  	_ =	shalt  }
0x82: {  	_ =	shalt  }
0x83: {  	_ =	shalt  }
0x84: {  	_ =	shalt  }
0x85: {  	_ =	shalt  }
0x86: {  	_ =	shalt  }
0x87: {  	_ =	shalt  }
.Lfunc_end0:
.L_simem_size_0:
called_computation_lowered:
.L_overlay_start_0:
0x88: {  	s2 =	sld [smem:$0x3FD9]  }
0x89: {  	s3 =	sld [smem:$0x3FFE];
	_ =	sdelay $0x1  }
0x8a: {  	s1 =	srdreg.scid  }
0x8b: {  	s0 =	sand.u32 $0x1, s1  }
0x8c: {  	s17 =	sshll.u32 s0, $0xA;
	s2 =	sadd.s32 s3, s2  }
0x8d: {  	s2 =	sadd.s32 s2, s17  }
0x8e: {  	[smem:$0x3FC1] =	sst s2  }
0x8f: {  	_ = 	snop  }
0x90: {  	s2 =	sld [smem:$0x3FD0];
	(tm) =	ssettm $0x1  }
0x91: {  	s18 =	sld [smem:$0x3FFB];
	_ =	sdelay $0x3  }
0x92: {  	_ =	strace s18  }
0x93: {  	s3 =	sld [smem:$0x3FFC];
	_ =	sdelay $0x3  }
0x94: {  	_ =	strace s3  }
0x95: {  	s3 =	sld [smem:$0x3FFD];
	_ =	sdelay $0x3  }
0x96: {  	_ =	strace s3  }
0x97: {  	_ =	strace $0x8FFFFFFF  }
0x98: {  	s19 =	sld [smem:$0x3FDB];
	_ =	sdelay $0x1  }
0x99: {  	s4 =	simm.s32 $_scs_section_size  }
0x9a: {  	s5 =	simm.s32 $_size__tile_overlayer_lowered;
	s6 =	simm.s32 $_tile_overlayer_lowered  }
0x9b: {  	s22 =	simm.s32 $0x1BFF;
	s21 =	sshll.u32 s6, $0x1;
	s3 =	sadd.s32 s4, s19  }
0x9c: {  	s7 =	simm.s32 $0x0;
	s20 =	sshll.u32 s5, $0x1;
	s5 =	sadd.s32 s21, s3  }
0x9d: {  	[timem:s7], [sflag:s22] =	dma.local [hbm:s5], s20  }
0x9e: {  	_ =	swait.ge [sflag:s22], s20  }
0x9f: {  	s4 =	ssub.s32 $0x0, s20;
	[sflag:s22] =	ssyncset.done $0x0  }
0xa0: {  	[sflag:s22] =	ssyncadd.s32 s4;
	_ =	sdelay $0x1  }
0xa1: {  	s23 =	simm.s32 $0x1B8B  }
0xa2: {  	_ =	swait.ge [sflag:s23], $0x1  }
0xa3: {  	[sflag:s23] =	ssyncset.done $0x0  }
0xa4: {  	s25 =	simm.s32 $0x1B8E;
	s24 =	sld [smem:$0x3FFE];
	[sflag:s23] =	ssyncadd.s32 $0xFFFFFFFF  }
0xa5: {  	s26 =	simm.s32 $execute0_lowered;
	[smem:$0x3FD2] =	sst s25  }
0xa6: {  	s5 =	sshll.u32 s26, $0x1;
	_ =	strace $0x80000046;
	[dreg:$0x1] =	wrdreg $0xFFFFFFFF  }
0xa7: {  	s28 =	simm.s32 $_size_execute0_lowered;
	s3 =	sadd.s32 s3, s5;
	[dreg:$0x0] =	wrdreg $0x0  }
0xa8: {  	s5 =	sshll.u32 s28, $0x1;
	[dreg:$0x2] =	wrdreg s3  }
0xa9: {  	[dreg:$0x3] =	wrdreg s5  }
0xaa: {  	[dreg:$0x4] =	wrdreg $0xC0  }
0xab: {  	_ =	task [dreg:s7], $0x5FFFF  }
0xac: {  	[dreg:$0x1] =	wrdreg $0xFFFFFFFF  }
0xad: {  	[dreg:$0x0] =	wrdreg $0x60  }
0xae: {  	[dreg:$0x2] =	wrdreg s24  }
0xaf: {  	[dreg:$0x3] =	wrdreg s2  }
0xb0: {  	[dreg:$0x4] =	wrdreg $0x9  }
0xb1: {  	_ =	task.clear_ibuf [dreg:s7], $0x5FFFF;
	_ =	strace $0x90000046  }
0xb2: {  	s29 =	simm.s32 $0x9;
	_ =	strace $0x80000048  }
0xb3: {  	_ =	swait.ge [sflag:s29], $0x1  }
0xb4: {  	[sflag:s29] =	ssyncadd.s32 $0xFFFFFFFF  }
0xb5: {  	_ =	strace $0x90000048  }
0xb6: {  	_ =	sfence  }
0xb7: {  	s30 =	sld [smem:$0x0];
	_ =	sdelay $0x2  }
0xb8: {  	s31 =	sshll.u32 s1, $0xD;
	s1 =	sshrl.u32 s1, $0x2  }
0xb9: {  	s3 =	sand.u32 $0x4000, s31;
	s1 =	sadd.s32 s1, s30  }
0xba: {  	s0 =	sor.u32 s3, s0;
	s1 =	sshll.u32 s1, $0x11  }
0xbb: {  	s0 =	sor.u32 s1, s0  }
0xbc: {  	s0 =	sadd.s32 $0x8F2B, s0  }
0xbd: {  	[sflag:s0] =	ssyncadd.remote.s32 $0x1  }
0xbe: {  	_ =	sfence.sel $0xFFFF  }
0xbf: {  	[dreg:$0x0] =	wrdreg $0xFFFFFFFF;
	(pc) =	sbr.abs _section_cstart, $3  }
0xc0: {  	[dreg:$0x1] =	wrdreg $0xFFFFFFFF  }
0xc1: {  	_ =	task.clear_ibuf [dreg:s7], $0x2FFFF;
	_ =	strace $0x9FFFFFFF  }
0xc2: {  	(tm) =	ssettm $0x7FFFFFFF  }
0xc3: {  	_ =	shalt  }
tec
execute0_lowered:
.L_overlay_start_1:
0x0: {  	(tag) =	ssettag $0x1  }
0x1: {  	s0 =	rddreg [dreg:$0x0];
	s1 =	srdreg.scid  }
0x2: {  	s2 =	stileid.u32;
	s5 =	rddreg [dreg:$0x1]  }
0x3: {  	s8 =	simm.s32 $0x80;
	s9 =	simm.s32 $0x1C00;
	s10 =	simm.s32 $0x5C00  }
0x4: {  	s20 =	simm.s32 $0x1080;
	s21 =	simm.s32 $0x1100;
	s22 =	simm.s32 $0x1180  }
0x5: {  	s23 =	simm.s32 $0x1200;
	s24 =	simm.s32 $0x1280;
	s25 =	simm.s32 $0x1300  }
0x6: {  	s28 =	simm.s32 $0x1400;
	s29 =	simm.s32 $0x1480;
	s30 =	simm.s32 $0x1500  }
0x7: {  	s31 =	simm.s32 $0x1580;
	s11 =	simm.s32 $0x1700;
	s12 =	simm.s32 $0x1780  }
0x8: {  	s13 =	simm.s32 $0x1800;
	s14 =	simm.s32 $0x1880;
	s15 =	simm.s32 $0x1  }
0x9: {  	s1 =	sand.u32 $0x1, s1;
	s3 =	sshll.u32 s2, $0x1;
	s2 =	simm.s32 $0x0  }
0xa: {  	s16 =	simm.s32 $0x0;
	s4 =	sor.u32 s1, s3;
	[smem:$0x7FF] =	sst s2  }
0xb: {  	s1 =	ssub.s32 $0x2, s1;
	s3 =	sadd.s32 $0xF4A600, s0;
	s6 =	smul.u32 $0x380, s4  }
0xc: {  	_ =	strace $0x80000047;
	s7 =	sshrl.u32 s1, $0x1;
	s26 =	sshll.u32 s4, $0xB  }
0xd: {  	s1 =	ssub.s32 s1, s7;
	s5 =	sadd.s32 s5, s26;
	s7 =	simm.s32 $0x2  }
0xe: {  	s26 =	simm.s32 $0x1380;
	s0 =	sadd.s32 s6, s0;
	s6 =	smax.u32 s1, $0x1  }
0xf: {  	v0 =	vimm.f32 $0.0e+00;
	s1 =	simm.s32 $0x1600;
	s4 =	sadd.s32 $0xF43600, s0;
	s0 =	simm.s32 $0x1680  }
.LBB2_1:
0x10: {  	[tilespmem:s2], [sflag:$0x2] =	stream.linear.gather [hbm4b:s4+s2], $0x1900, $0x38;
	[tilespmem:$0x9C00] =	vst v63  }
0x11: {  	_ =	swait.ge [sflag:s7], $0x1900  }
0x12: {  	[sflag:s7] =	ssyncset.done $0x0  }
0x13: {  	s17 =	simm.s32 $0x0;
	s18 =	simm.s32 $0x200;
	[sflag:s7] =	ssyncadd.s32 $0xFFFFE700  }
.LBB2_2:
0x14: {  	p0 =	sne.s32 s18, $0xFE00;
	[tilespmem:s17+$0x5C70] =	vst v0  }
0x15: {  	[tilespmem:s17+$0x1C00] =	vst v0  }
0x16: {  	[tilespmem:s17+$0x5C00] =	vst v0  }
0x17: {  	[tilespmem:s17+$0x1C10] =	vst v0  }
0x18: {  	[tilespmem:s17+$0x5C10] =	vst v0  }
0x19: {  	[tilespmem:s17+$0x1C20] =	vst v0  }
0x1a: {  	[tilespmem:s17+$0x5C20] =	vst v0  }
0x1b: {  	[tilespmem:s17+$0x1C30] =	vst v0  }
0x1c: {  	[tilespmem:s17+$0x5C30] =	vst v0  }
0x1d: {  	[tilespmem:s17+$0x1C40] =	vst v0  }
0x1e: {  	[tilespmem:s17+$0x5C40] =	vst v0  }
.Ltmp0:
0x1f: {  	[tilespmem:s17+$0x1C50] =	vst v0;
	(pc) =	sbr.rel @p0 .LBB2_2-.Ltmp0, $4  }
0x20: {  	[tilespmem:s17+$0x5C50] =	vst v0  }
0x21: {  	[tilespmem:s17+$0x1C60] =	vst v0  }
0x22: {  	[tilespmem:s17+$0x5C60] =	vst v0  }
0x23: {  	[tilespmem:s17+$0x1C70] =	vst v0;
	s17 =	sshra.s32 s18, $0x2;
	s18 =	sadd.s32 $0x200, s18  }
0x24: {  	[tilespmem:s17+$0x5C70] =	vst v0  }
0x25: {  	[tilespmem:s17+$0x1C00] =	vst v0  }
0x26: {  	[tilespmem:s17+$0x5C00] =	vst v0  }
0x27: {  	[tilespmem:s17+$0x1C10] =	vst v0  }
0x28: {  	[tilespmem:s17+$0x5C10] =	vst v0  }
0x29: {  	[tilespmem:s17+$0x1C20] =	vst v0  }
0x2a: {  	[tilespmem:s17+$0x5C20] =	vst v0  }
0x2b: {  	[tilespmem:s17+$0x1C30] =	vst v0  }
0x2c: {  	[tilespmem:s17+$0x5C30] =	vst v0  }
0x2d: {  	[tilespmem:s17+$0x1C40] =	vst v0  }
0x2e: {  	[tilespmem:s17+$0x5C40] =	vst v0  }
0x2f: {  	[tilespmem:s17+$0x1C50] =	vst v0  }
0x30: {  	[tilespmem:s17+$0x5C50] =	vst v0  }
0x31: {  	[tilespmem:s17+$0x1C60] =	vst v0  }
0x32: {  	[tilespmem:s17+$0x5C60] =	vst v0  }
0x33: {  	[tilespmem:s17+$0x1C70] =	vst v0;
	s18 =	simm.s32 $0x0  }
0x34: {  	[tilespmem:s9], [sflag:$0x1] =	stream.indirect.gather.add.f32 [hbm:s3], $0x80, s18, s8, $0xb8;
	[tilespmem:$0x9C00] =	vst v63  }
0x35: {  	_ = 	snop  }
0x36: {  	[tilespmem:s10], [sflag:$0x1] =	stream.indirect.gather.add.f32 [hbm:s3], $0x80, s8, s8, $0xb8;
	[tilespmem:$0x9C00] =	vst v63  }
0x37: {  	s19 =	simm.s32 $0x100  }
0x38: {  	[tilespmem:s9], [sflag:$0x1] =	stream.indirect.gather.add.f32 [hbm:s3], $0x80, s19, s8, $0xb8;
	[tilespmem:$0x9C00] =	vst v63  }
0x39: {  	s18 =	simm.s32 $0x180  }
0x3a: {  	[tilespmem:s10], [sflag:$0x1] =	stream.indirect.gather.add.f32 [hbm:s3], $0x80, s18, s8, $0xb8;
	[tilespmem:$0x9C00] =	vst v63  }
0x3b: {  	s19 =	simm.s32 $0x200  }
0x3c: {  	[tilespmem:s9], [sflag:$0x1] =	stream.indirect.gather.add.f32 [hbm:s3], $0x80, s19, s8, $0xb8;
	[tilespmem:$0x9C00] =	vst v63  }
0x3d: {  	s18 =	simm.s32 $0x280  }
0x3e: {  	[tilespmem:s10], [sflag:$0x1] =	stream.indirect.gather.add.f32 [hbm:s3], $0x80, s18, s8, $0xb8;
	[tilespmem:$0x9C00] =	vst v63  }
0x3f: {  	s19 =	simm.s32 $0x300  }
0x40: {  	[tilespmem:s9], [sflag:$0x1] =	stream.indirect.gather.add.f32 [hbm:s3], $0x80, s19, s8, $0xb8;
	[tilespmem:$0x9C00] =	vst v63  }
0x41: {  	s18 =	simm.s32 $0x380  }
0x42: {  	[tilespmem:s10], [sflag:$0x1] =	stream.indirect.gather.add.f32 [hbm:s3], $0x80, s18, s8, $0xb8;
	[tilespmem:$0x9C00] =	vst v63  }
0x43: {  	s19 =	simm.s32 $0x400  }
0x44: {  	[tilespmem:s9], [sflag:$0x1] =	stream.indirect.gather.add.f32 [hbm:s3], $0x80, s19, s8, $0xb8;
	[tilespmem:$0x9C00] =	vst v63  }
0x45: {  	s18 =	simm.s32 $0x480  }
0x46: {  	[tilespmem:s10], [sflag:$0x1] =	stream.indirect.gather.add.f32 [hbm:s3], $0x80, s18, s8, $0xb8;
	[tilespmem:$0x9C00] =	vst v63  }
0x47: {  	s19 =	simm.s32 $0x500  }
0x48: {  	[tilespmem:s9], [sflag:$0x1] =	stream.indirect.gather.add.f32 [hbm:s3], $0x80, s19, s8, $0xb8;
	[tilespmem:$0x9C00] =	vst v63  }
0x49: {  	s18 =	simm.s32 $0x580  }
0x4a: {  	[tilespmem:s10], [sflag:$0x1] =	stream.indirect.gather.add.f32 [hbm:s3], $0x80, s18, s8, $0xb8;
	[tilespmem:$0x9C00] =	vst v63  }
0x4b: {  	s19 =	simm.s32 $0x600  }
0x4c: {  	[tilespmem:s9], [sflag:$0x1] =	stream.indirect.gather.add.f32 [hbm:s3], $0x80, s19, s8, $0xb8;
	[tilespmem:$0x9C00] =	vst v63  }
0x4d: {  	s18 =	simm.s32 $0x680  }
0x4e: {  	[tilespmem:s10], [sflag:$0x1] =	stream.indirect.gather.add.f32 [hbm:s3], $0x80, s18, s8, $0xb8;
	[tilespmem:$0x9C00] =	vst v63  }
0x4f: {  	s19 =	simm.s32 $0x700  }
0x50: {  	[tilespmem:s9], [sflag:$0x1] =	stream.indirect.gather.add.f32 [hbm:s3], $0x80, s19, s8, $0xb8;
	[tilespmem:$0x9C00] =	vst v63  }
0x51: {  	s18 =	simm.s32 $0x780  }
0x52: {  	[tilespmem:s10], [sflag:$0x1] =	stream.indirect.gather.add.f32 [hbm:s3], $0x80, s18, s8, $0xb8;
	[tilespmem:$0x9C00] =	vst v63  }
0x53: {  	s19 =	simm.s32 $0x800  }
0x54: {  	[tilespmem:s9], [sflag:$0x1] =	stream.indirect.gather.add.f32 [hbm:s3], $0x80, s19, s8, $0xb8;
	[tilespmem:$0x9C00] =	vst v63  }
0x55: {  	s18 =	simm.s32 $0x880  }
0x56: {  	[tilespmem:s10], [sflag:$0x1] =	stream.indirect.gather.add.f32 [hbm:s3], $0x80, s18, s8, $0xb8;
	[tilespmem:$0x9C00] =	vst v63  }
0x57: {  	s19 =	simm.s32 $0x900  }
0x58: {  	[tilespmem:s9], [sflag:$0x1] =	stream.indirect.gather.add.f32 [hbm:s3], $0x80, s19, s8, $0xb8;
	[tilespmem:$0x9C00] =	vst v63  }
0x59: {  	s18 =	simm.s32 $0x980  }
0x5a: {  	[tilespmem:s10], [sflag:$0x1] =	stream.indirect.gather.add.f32 [hbm:s3], $0x80, s18, s8, $0xb8;
	[tilespmem:$0x9C00] =	vst v63  }
0x5b: {  	s19 =	simm.s32 $0xA00  }
0x5c: {  	[tilespmem:s9], [sflag:$0x1] =	stream.indirect.gather.add.f32 [hbm:s3], $0x80, s19, s8, $0xb8;
	[tilespmem:$0x9C00] =	vst v63  }
0x5d: {  	s18 =	simm.s32 $0xA80  }
0x5e: {  	[tilespmem:s10], [sflag:$0x1] =	stream.indirect.gather.add.f32 [hbm:s3], $0x80, s18, s8, $0xb8;
	[tilespmem:$0x9C00] =	vst v63  }
0x5f: {  	s19 =	simm.s32 $0xB00  }
0x60: {  	[tilespmem:s9], [sflag:$0x1] =	stream.indirect.gather.add.f32 [hbm:s3], $0x80, s19, s8, $0xb8;
	[tilespmem:$0x9C00] =	vst v63  }
0x61: {  	s18 =	simm.s32 $0xB80  }
0x62: {  	[tilespmem:s10], [sflag:$0x1] =	stream.indirect.gather.add.f32 [hbm:s3], $0x80, s18, s8, $0xb8;
	[tilespmem:$0x9C00] =	vst v63  }
0x63: {  	s19 =	simm.s32 $0xC00  }
0x64: {  	[tilespmem:s9], [sflag:$0x1] =	stream.indirect.gather.add.f32 [hbm:s3], $0x80, s19, s8, $0xb8;
	[tilespmem:$0x9C00] =	vst v63  }
0x65: {  	s18 =	simm.s32 $0xC80  }
0x66: {  	[tilespmem:s10], [sflag:$0x1] =	stream.indirect.gather.add.f32 [hbm:s3], $0x80, s18, s8, $0xb8;
	[tilespmem:$0x9C00] =	vst v63  }
0x67: {  	s19 =	simm.s32 $0xD00  }
0x68: {  	[tilespmem:s9], [sflag:$0x1] =	stream.indirect.gather.add.f32 [hbm:s3], $0x80, s19, s8, $0xb8;
	[tilespmem:$0x9C00] =	vst v63  }
0x69: {  	s18 =	simm.s32 $0xD80  }
0x6a: {  	[tilespmem:s10], [sflag:$0x1] =	stream.indirect.gather.add.f32 [hbm:s3], $0x80, s18, s8, $0xb8;
	[tilespmem:$0x9C00] =	vst v63  }
0x6b: {  	s19 =	simm.s32 $0xE00  }
0x6c: {  	[tilespmem:s9], [sflag:$0x1] =	stream.indirect.gather.add.f32 [hbm:s3], $0x80, s19, s8, $0xb8;
	[tilespmem:$0x9C00] =	vst v63  }
0x6d: {  	s18 =	simm.s32 $0xE80  }
0x6e: {  	[tilespmem:s10], [sflag:$0x1] =	stream.indirect.gather.add.f32 [hbm:s3], $0x80, s18, s8, $0xb8;
	[tilespmem:$0x9C00] =	vst v63  }
0x6f: {  	s19 =	simm.s32 $0xF00  }
0x70: {  	[tilespmem:s9], [sflag:$0x1] =	stream.indirect.gather.add.f32 [hbm:s3], $0x80, s19, s8, $0xb8;
	[tilespmem:$0x9C00] =	vst v63  }
0x71: {  	s18 =	simm.s32 $0xF80  }
0x72: {  	[tilespmem:s10], [sflag:$0x1] =	stream.indirect.gather.add.f32 [hbm:s3], $0x80, s18, s8, $0xb8;
	[tilespmem:$0x9C00] =	vst v63  }
0x73: {  	s19 =	simm.s32 $0x1000  }
0x74: {  	[tilespmem:s9], [sflag:$0x1] =	stream.indirect.gather.add.f32 [hbm:s3], $0x80, s19, s8, $0xb8;
	[tilespmem:$0x9C00] =	vst v63  }
0x75: {  	_ = 	snop  }
0x76: {  	[tilespmem:s10], [sflag:$0x1] =	stream.indirect.gather.add.f32 [hbm:s3], $0x80, s20, s8, $0xb8;
	[tilespmem:$0x9C00] =	vst v63  }
0x77: {  	_ = 	snop  }
0x78: {  	[tilespmem:s9], [sflag:$0x1] =	stream.indirect.gather.add.f32 [hbm:s3], $0x80, s21, s8, $0xb8;
	[tilespmem:$0x9C00] =	vst v63  }
0x79: {  	_ = 	snop  }
0x7a: {  	[tilespmem:s10], [sflag:$0x1] =	stream.indirect.gather.add.f32 [hbm:s3], $0x80, s22, s8, $0xb8;
	[tilespmem:$0x9C00] =	vst v63  }
0x7b: {  	_ = 	snop  }
0x7c: {  	[tilespmem:s9], [sflag:$0x1] =	stream.indirect.gather.add.f32 [hbm:s3], $0x80, s23, s8, $0xb8;
	[tilespmem:$0x9C00] =	vst v63  }
0x7d: {  	_ = 	snop  }
0x7e: {  	[tilespmem:s10], [sflag:$0x1] =	stream.indirect.gather.add.f32 [hbm:s3], $0x80, s24, s8, $0xb8;
	[tilespmem:$0x9C00] =	vst v63  }
0x7f: {  	_ = 	snop  }
0x80: {  	[tilespmem:s9], [sflag:$0x1] =	stream.indirect.gather.add.f32 [hbm:s3], $0x80, s25, s8, $0xb8;
	[tilespmem:$0x9C00] =	vst v63  }
0x81: {  	_ = 	snop  }
0x82: {  	[tilespmem:s10], [sflag:$0x1] =	stream.indirect.gather.add.f32 [hbm:s3], $0x80, s26, s8, $0xb8;
	[tilespmem:$0x9C00] =	vst v63  }
0x83: {  	_ = 	snop  }
0x84: {  	[tilespmem:s9], [sflag:$0x1] =	stream.indirect.gather.add.f32 [hbm:s3], $0x80, s28, s8, $0xb8;
	[tilespmem:$0x9C00] =	vst v63  }
0x85: {  	_ = 	snop  }
0x86: {  	[tilespmem:s10], [sflag:$0x1] =	stream.indirect.gather.add.f32 [hbm:s3], $0x80, s29, s8, $0xb8;
	[tilespmem:$0x9C00] =	vst v63  }
0x87: {  	_ = 	snop  }
0x88: {  	[tilespmem:s9], [sflag:$0x1] =	stream.indirect.gather.add.f32 [hbm:s3], $0x80, s30, s8, $0xb8;
	[tilespmem:$0x9C00] =	vst v63  }
0x89: {  	_ = 	snop  }
0x8a: {  	[tilespmem:s10], [sflag:$0x1] =	stream.indirect.gather.add.f32 [hbm:s3], $0x80, s31, s8, $0xb8;
	[tilespmem:$0x9C00] =	vst v63  }
0x8b: {  	_ = 	snop  }
0x8c: {  	[tilespmem:s9], [sflag:$0x1] =	stream.indirect.gather.add.f32 [hbm:s3], $0x80, s1, s8, $0xb8;
	[tilespmem:$0x9C00] =	vst v63  }
0x8d: {  	_ = 	snop  }
0x8e: {  	[tilespmem:s10], [sflag:$0x1] =	stream.indirect.gather.add.f32 [hbm:s3], $0x80, s0, s8, $0xb8;
	[tilespmem:$0x9C00] =	vst v63  }
0x8f: {  	_ = 	snop  }
0x90: {  	[tilespmem:s9], [sflag:$0x1] =	stream.indirect.gather.add.f32 [hbm:s3], $0x80, s11, s8, $0xb8;
	[tilespmem:$0x9C00] =	vst v63  }
0x91: {  	_ = 	snop  }
0x92: {  	[tilespmem:s10], [sflag:$0x1] =	stream.indirect.gather.add.f32 [hbm:s3], $0x80, s12, s8, $0xb8;
	[tilespmem:$0x9C00] =	vst v63  }
0x93: {  	_ = 	snop  }
0x94: {  	[tilespmem:s9], [sflag:$0x1] =	stream.indirect.gather.add.f32 [hbm:s3], $0x80, s13, s8, $0xb8;
	[tilespmem:$0x9C00] =	vst v63  }
0x95: {  	_ = 	snop  }
0x96: {  	[tilespmem:s10], [sflag:$0x1] =	stream.indirect.gather.add.f32 [hbm:s3], $0x80, s14, s8, $0xb8;
	[tilespmem:$0x9C00] =	vst v63  }
0x97: {  	_ =	swait.ge [sflag:s15], $0x4000  }
0x98: {  	[sflag:s15] =	ssyncset.done $0x0  }
0x99: {  	[sflag:s15] =	ssyncadd.s32 $0xFFFFC000  }
0x9a: {  	_ =	swait.ge [sflag:s15], $0x4000  }
0x9b: {  	[sflag:s15] =	ssyncset.done $0x0  }
0x9c: {  	[sflag:s15] =	ssyncadd.s32 $0xFFFFC000  }
0x9d: {  	_ =	swait.ge [sflag:s15], $0x4000  }
0x9e: {  	[sflag:s15] =	ssyncset.done $0x0  }
0x9f: {  	[sflag:s15] =	ssyncadd.s32 $0xFFFFC000  }
0xa0: {  	_ =	swait.ge [sflag:s15], $0x4000  }
0xa1: {  	[sflag:s15] =	ssyncset.done $0x0  }
0xa2: {  	[sflag:s15] =	ssyncadd.s32 $0xFFFFC000  }
0xa3: {  	_ =	swait.ge [sflag:s15], $0x4000  }
0xa4: {  	[sflag:s15] =	ssyncset.done $0x0  }
0xa5: {  	[sflag:s15] =	ssyncadd.s32 $0xFFFFC000  }
0xa6: {  	_ =	swait.ge [sflag:s15], $0x4000  }
0xa7: {  	[sflag:s15] =	ssyncset.done $0x0  }
0xa8: {  	[sflag:s15] =	ssyncadd.s32 $0xFFFFC000  }
0xa9: {  	_ =	swait.ge [sflag:s15], $0x4000  }
0xaa: {  	[sflag:s15] =	ssyncset.done $0x0  }
0xab: {  	[sflag:s15] =	ssyncadd.s32 $0xFFFFC000  }
0xac: {  	_ =	swait.ge [sflag:s15], $0x4000  }
0xad: {  	[sflag:s15] =	ssyncset.done $0x0  }
0xae: {  	[sflag:s15] =	ssyncadd.s32 $0xFFFFC000  }
0xaf: {  	_ =	swait.ge [sflag:s15], $0x4000  }
0xb0: {  	[sflag:s15] =	ssyncset.done $0x0  }
0xb1: {  	[sflag:s15] =	ssyncadd.s32 $0xFFFFC000  }
0xb2: {  	_ =	swait.ge [sflag:s15], $0x4000  }
0xb3: {  	[sflag:s15] =	ssyncset.done $0x0  }
0xb4: {  	[sflag:s15] =	ssyncadd.s32 $0xFFFFC000  }
0xb5: {  	_ =	swait.ge [sflag:s15], $0x4000  }
0xb6: {  	[sflag:s15] =	ssyncset.done $0x0  }
0xb7: {  	[sflag:s15] =	ssyncadd.s32 $0xFFFFC000  }
0xb8: {  	_ =	swait.ge [sflag:s15], $0x4000  }
0xb9: {  	[sflag:s15] =	ssyncset.done $0x0  }
0xba: {  	[sflag:s15] =	ssyncadd.s32 $0xFFFFC000  }
0xbb: {  	_ =	swait.ge [sflag:s15], $0x4000  }
0xbc: {  	[sflag:s15] =	ssyncset.done $0x0  }
0xbd: {  	[sflag:s15] =	ssyncadd.s32 $0xFFFFC000  }
0xbe: {  	_ =	swait.ge [sflag:s15], $0x4000  }
0xbf: {  	[sflag:s15] =	ssyncset.done $0x0  }
0xc0: {  	[sflag:s15] =	ssyncadd.s32 $0xFFFFC000  }
0xc1: {  	_ =	swait.ge [sflag:s15], $0x4000  }
0xc2: {  	[sflag:s15] =	ssyncset.done $0x0  }
0xc3: {  	[sflag:s15] =	ssyncadd.s32 $0xFFFFC000  }
0xc4: {  	_ =	swait.ge [sflag:s15], $0x4000  }
0xc5: {  	[sflag:s15] =	ssyncset.done $0x0  }
0xc6: {  	[sflag:s15] =	ssyncadd.s32 $0xFFFFC000  }
0xc7: {  	_ =	swait.ge [sflag:s15], $0x4000  }
0xc8: {  	[sflag:s15] =	ssyncset.done $0x0  }
0xc9: {  	[sflag:s15] =	ssyncadd.s32 $0xFFFFC000  }
0xca: {  	_ =	swait.ge [sflag:s15], $0x4000  }
0xcb: {  	[sflag:s15] =	ssyncset.done $0x0  }
0xcc: {  	[sflag:s15] =	ssyncadd.s32 $0xFFFFC000  }
0xcd: {  	_ =	swait.ge [sflag:s15], $0x4000  }
0xce: {  	[sflag:s15] =	ssyncset.done $0x0  }
0xcf: {  	[sflag:s15] =	ssyncadd.s32 $0xFFFFC000  }
0xd0: {  	_ =	swait.ge [sflag:s15], $0x4000  }
0xd1: {  	[sflag:s15] =	ssyncset.done $0x0  }
0xd2: {  	[sflag:s15] =	ssyncadd.s32 $0xFFFFC000  }
0xd3: {  	_ =	swait.ge [sflag:s15], $0x4000  }
0xd4: {  	[sflag:s15] =	ssyncset.done $0x0  }
0xd5: {  	[sflag:s15] =	ssyncadd.s32 $0xFFFFC000  }
0xd6: {  	_ =	swait.ge [sflag:s15], $0x4000  }
0xd7: {  	[sflag:s15] =	ssyncset.done $0x0  }
0xd8: {  	[sflag:s15] =	ssyncadd.s32 $0xFFFFC000  }
0xd9: {  	_ =	swait.ge [sflag:s15], $0x4000  }
0xda: {  	[sflag:s15] =	ssyncset.done $0x0  }
0xdb: {  	[sflag:s15] =	ssyncadd.s32 $0xFFFFC000  }
0xdc: {  	_ =	swait.ge [sflag:s15], $0x4000  }
0xdd: {  	[sflag:s15] =	ssyncset.done $0x0  }
0xde: {  	[sflag:s15] =	ssyncadd.s32 $0xFFFFC000  }
0xdf: {  	_ =	swait.ge [sflag:s15], $0x4000  }
0xe0: {  	[sflag:s15] =	ssyncset.done $0x0  }
0xe1: {  	[sflag:s15] =	ssyncadd.s32 $0xFFFFC000  }
0xe2: {  	_ =	swait.ge [sflag:s15], $0x4000  }
0xe3: {  	[sflag:s15] =	ssyncset.done $0x0  }
0xe4: {  	[sflag:s15] =	ssyncadd.s32 $0xFFFFC000  }
0xe5: {  	_ =	swait.ge [sflag:s15], $0x4000  }
0xe6: {  	[sflag:s15] =	ssyncset.done $0x0  }
0xe7: {  	[sflag:s15] =	ssyncadd.s32 $0xFFFFC000  }
0xe8: {  	_ =	swait.ge [sflag:s15], $0x4000  }
0xe9: {  	[sflag:s15] =	ssyncset.done $0x0  }
0xea: {  	[sflag:s15] =	ssyncadd.s32 $0xFFFFC000  }
0xeb: {  	_ =	swait.ge [sflag:s15], $0x4000  }
0xec: {  	[sflag:s15] =	ssyncset.done $0x0  }
0xed: {  	[sflag:s15] =	ssyncadd.s32 $0xFFFFC000  }
0xee: {  	_ =	swait.ge [sflag:s15], $0x4000  }
0xef: {  	[sflag:s15] =	ssyncset.done $0x0  }
0xf0: {  	[sflag:s15] =	ssyncadd.s32 $0xFFFFC000  }
0xf1: {  	_ =	swait.ge [sflag:s15], $0x4000  }
0xf2: {  	[sflag:s15] =	ssyncset.done $0x0  }
0xf3: {  	[sflag:s15] =	ssyncadd.s32 $0xFFFFC000  }
0xf4: {  	_ =	swait.ge [sflag:s15], $0x4000  }
0xf5: {  	[sflag:s15] =	ssyncset.done $0x0  }
0xf6: {  	[sflag:s15] =	ssyncadd.s32 $0xFFFFC000  }
0xf7: {  	_ =	swait.ge [sflag:s15], $0x4000  }
0xf8: {  	[sflag:s15] =	ssyncset.done $0x0  }
0xf9: {  	[sflag:s15] =	ssyncadd.s32 $0xFFFFC000  }
0xfa: {  	_ =	swait.ge [sflag:s15], $0x4000  }
0xfb: {  	[sflag:s15] =	ssyncset.done $0x0  }
0xfc: {  	[sflag:s15] =	ssyncadd.s32 $0xFFFFC000  }
0xfd: {  	_ =	swait.ge [sflag:s15], $0x4000  }
0xfe: {  	[sflag:s15] =	ssyncset.done $0x0  }
0xff: {  	[sflag:s15] =	ssyncadd.s32 $0xFFFFC000  }
0x100: {  	_ =	swait.ge [sflag:s15], $0x4000  }
0x101: {  	[sflag:s15] =	ssyncset.done $0x0  }
0x102: {  	[sflag:s15] =	ssyncadd.s32 $0xFFFFC000  }
0x103: {  	_ =	swait.ge [sflag:s15], $0x4000  }
0x104: {  	[sflag:s15] =	ssyncset.done $0x0  }
0x105: {  	[sflag:s15] =	ssyncadd.s32 $0xFFFFC000  }
0x106: {  	_ =	swait.ge [sflag:s15], $0x4000  }
0x107: {  	[sflag:s15] =	ssyncset.done $0x0  }
0x108: {  	[sflag:s15] =	ssyncadd.s32 $0xFFFFC000  }
0x109: {  	_ =	swait.ge [sflag:s15], $0x4000  }
0x10a: {  	[sflag:s15] =	ssyncset.done $0x0  }
0x10b: {  	[sflag:s15] =	ssyncadd.s32 $0xFFFFC000  }
0x10c: {  	_ =	swait.ge [sflag:s15], $0x4000  }
0x10d: {  	[sflag:s15] =	ssyncset.done $0x0  }
0x10e: {  	[sflag:s15] =	ssyncadd.s32 $0xFFFFC000  }
0x10f: {  	_ =	swait.ge [sflag:s15], $0x4000  }
0x110: {  	[sflag:s15] =	ssyncset.done $0x0  }
0x111: {  	[sflag:s15] =	ssyncadd.s32 $0xFFFFC000  }
0x112: {  	_ =	swait.ge [sflag:s15], $0x4000  }
0x113: {  	[sflag:s15] =	ssyncset.done $0x0  }
0x114: {  	[sflag:s15] =	ssyncadd.s32 $0xFFFFC000  }
0x115: {  	_ =	swait.ge [sflag:s15], $0x4000  }
0x116: {  	[sflag:s15] =	ssyncset.done $0x0  }
0x117: {  	[sflag:s15] =	ssyncadd.s32 $0xFFFFC000  }
0x118: {  	_ =	swait.ge [sflag:s15], $0x4000  }
0x119: {  	[sflag:s15] =	ssyncset.done $0x0  }
0x11a: {  	[sflag:s15] =	ssyncadd.s32 $0xFFFFC000  }
0x11b: {  	_ =	swait.ge [sflag:s15], $0x4000  }
0x11c: {  	[sflag:s15] =	ssyncset.done $0x0  }
0x11d: {  	[sflag:s15] =	ssyncadd.s32 $0xFFFFC000  }
0x11e: {  	_ =	swait.ge [sflag:s15], $0x4000  }
0x11f: {  	[sflag:s15] =	ssyncset.done $0x0  }
0x120: {  	[sflag:s15] =	ssyncadd.s32 $0xFFFFC000  }
0x121: {  	_ =	swait.ge [sflag:s15], $0x4000  }
0x122: {  	[sflag:s15] =	ssyncset.done $0x0  }
0x123: {  	[sflag:s15] =	ssyncadd.s32 $0xFFFFC000  }
0x124: {  	_ =	swait.ge [sflag:s15], $0x4000  }
0x125: {  	[sflag:s15] =	ssyncset.done $0x0  }
0x126: {  	[sflag:s15] =	ssyncadd.s32 $0xFFFFC000  }
0x127: {  	_ =	swait.ge [sflag:s15], $0x4000  }
0x128: {  	[sflag:s15] =	ssyncset.done $0x0  }
0x129: {  	[sflag:s15] =	ssyncadd.s32 $0xFFFFC000  }
0x12a: {  	_ =	swait.ge [sflag:s15], $0x4000  }
0x12b: {  	[sflag:s15] =	ssyncset.done $0x0  }
0x12c: {  	s17 =	simm.s32 $0x0;
	[sflag:s15] =	ssyncadd.s32 $0xFFFFC000  }
0x12d: {  	v8 =	vld [tilespmem:s17+$0x5C00]  }
0x12e: {  	v12 =	vld [tilespmem:s17+$0x5C10]  }
0x12f: {  	v6 =	vld [tilespmem:s17+$0x5C20]  }
0x130: {  	v5 =	vld [tilespmem:s17+$0x5C30]  }
0x131: {  	v4 =	vld [tilespmem:s17+$0x5C40]  }
0x132: {  	v3 =	vld [tilespmem:s17+$0x5C50]  }
0x133: {  	v2 =	vld [tilespmem:s17+$0x5C60]  }
0x134: {  	v1 =	vld [tilespmem:s17+$0x5C70]  }
0x135: {  	v13 =	vld [tilespmem:s17+$0x1C00]  }
0x136: {  	v14 =	vld [tilespmem:s17+$0x1C10]  }
0x137: {  	v11 =	vld [tilespmem:s17+$0x1C20]  }
0x138: {  	v10 =	vld [tilespmem:s17+$0x1C30]  }
0x139: {  	v9 =	vld [tilespmem:s17+$0x1C40]  }
0x13a: {  	v7 =	vld [tilespmem:s17+$0x1C50];
	v13 =	vadd.f32 v8, v13  }
0x13b: {  	s18 =	simm.s32 $0x200;
	v12 =	vadd.f32 v12, v14;
	v8 =	vld [tilespmem:s17+$0x1C60]  }
.LBB2_4:
0x13c: {  	s19 =	sshra.s32 s18, $0x2;
	p0 =	sne.s32 s18, $0xFE00;
	[tilespmem:s17+$0x1C00] =	vst v13;
	v6 =	vadd.f32 v6, v11;
	v11 =	vld [tilespmem:s17+$0x1C70]  }
0x13d: {  	v13 =	vld [tilespmem:s19+$0x5C00];
	[tilespmem:s17+$0x1C10] =	vst v12;
	v5 =	vadd.f32 v5, v10  }
0x13e: {  	v12 =	vld [tilespmem:s19+$0x5C10];
	[tilespmem:s17+$0x1C20] =	vst v6;
	v4 =	vadd.f32 v4, v9  }
0x13f: {  	v6 =	vld [tilespmem:s19+$0x5C20];
	[tilespmem:s17+$0x1C30] =	vst v5;
	v3 =	vadd.f32 v3, v7  }
0x140: {  	v5 =	vld [tilespmem:s19+$0x5C30];
	[tilespmem:s17+$0x1C40] =	vst v4;
	v2 =	vadd.f32 v2, v8  }
0x141: {  	v4 =	vld [tilespmem:s19+$0x5C40];
	[tilespmem:s17+$0x1C50] =	vst v3;
	v1 =	vadd.f32 v1, v11  }
0x142: {  	v3 =	vld [tilespmem:s19+$0x5C50];
	[tilespmem:s17+$0x1C60] =	vst v2  }
0x143: {  	v2 =	vld [tilespmem:s19+$0x5C60];
	[tilespmem:s17+$0x1C70] =	vst v1;
	s17 =	smov.u32 s19  }
0x144: {  	v1 =	vld [tilespmem:s17+$0x5C70]  }
0x145: {  	v7 =	vld [tilespmem:s17+$0x1C00]  }
0x146: {  	v8 =	vld [tilespmem:s17+$0x1C10]  }
.Ltmp1:
0x147: {  	v11 =	vld [tilespmem:s17+$0x1C20];
	(pc) =	sbr.rel @p0 .LBB2_4-.Ltmp1, $4  }
0x148: {  	v10 =	vld [tilespmem:s17+$0x1C30]  }
0x149: {  	v9 =	vld [tilespmem:s17+$0x1C40]  }
0x14a: {  	v13 =	vadd.f32 v13, v7;
	v7 =	vld [tilespmem:s17+$0x1C50]  }
0x14b: {  	s18 =	sadd.s32 $0x200, s18;
	v12 =	vadd.f32 v12, v8;
	v8 =	vld [tilespmem:s17+$0x1C60]  }
0x14c: {  	[tilespmem:s17+$0x1C00] =	vst v13;
	v6 =	vadd.f32 v6, v11;
	v63 =	vld [tilespmem:s17+$0x1C70]  }
0x14d: {  	[tilespmem:s17+$0x1C10] =	vst v12;
	v5 =	vadd.f32 v5, v10  }
0x14e: {  	[tilespmem:s17+$0x1C20] =	vst v6;
	v4 =	vadd.f32 v4, v9  }
0x14f: {  	[tilespmem:s17+$0x1C30] =	vst v5;
	v3 =	vadd.f32 v3, v7  }
0x150: {  	[tilespmem:s17+$0x1C40] =	vst v4;
	v2 =	vadd.f32 v2, v8  }
0x151: {  	s16 =	sadd.s32 $0x1, s16;
	[tilespmem:s17+$0x1C50] =	vst v3;
	v1 =	vadd.f32 v1, v63  }
0x152: {  	p0 =	sne.s32 s16, s6;
	[tilespmem:s17+$0x1C60] =	vst v2  }
.Ltmp2:
0x153: {  	[tilespmem:s17+$0x1C70] =	vst v1;
	(pc) =	sbr.rel @p0 .LBB2_1-.Ltmp2, $4  }
0x154: {  	[hbm4b:s5+s2] =	stream.linear.scatter [tilespmem:s9], [sflag:$0x2], $0x4000, $0x38;
	[tilespmem:$0x9C00] =	vst v63  }
0x155: {  	_ =	swait.ge [sflag:s7], $0x4000  }
0x156: {  	[sflag:s7] =	ssyncset.done $0x0  }
0x157: {  	[sflag:s7] =	ssyncadd.s32 $0xFFFFC000  }
0x158: {  	_ =	sfence.sel $0x180000  }
0x159: {  	[bflag:$0x0] =	sbarrier.arrive $0xFFFF  }
0x15a: {  	_ =	strace $0x90000047  }
0x15b: {  	s0 =	stileid.u32;
	[bflag:$0x2] =	sbarrier.arrive $0xFFFF  }
0x15c: {  	p0 =	sne.s32 s0, $0x0;
	s0 =	rddreg [dreg:$0x2]  }
0x15d: {  	s0 =	sadd.s32 @!p0 $0x100000, s0  }
0x15e: {  	[sflag:s0] =	ssyncadd.tile.s32 @!p0 $0x1;
	_ =	shalt  }
.Lfunc_end2:
_tile_overlayer_lowered:
.L_overlay_start_2:
0x15f: {  	(tag) =	ssettag $0x2  }
0x160: {  	s0 =	rddreg [dreg:$0x0];
	s2 =	stileid.u32  }
0x161: {  	s1 =	rddreg [dreg:$0x1];
	p0 =	sne.s32 s2, $0x0  }
0x162: {  	s3 =	rddreg [dreg:$0x2];
	[bflag:$0x3] =	sbarrier.arrive $0xFFFF;
	s2 =	simm.s32 @!p0 $0x1C02  }
0x163: {  	[timem:s3], [sflag:s2] =	dma.local @!p0 [hbm:s0], s1  }
0x164: {  	s0 =	simm.s32 @!p0 $0x2  }
0x165: {  	_ =	swait.ge @!p0 [sflag:s0], s1  }
0x166: {  	s1 =	ssub.s32 @!p0 $0x0, s1;
	[sflag:s0] =	ssyncset.done @!p0 $0x0  }
0x167: {  	[sflag:s0] =	ssyncadd.s32 @!p0 s1  }
0x168: {  	[bflag:$0x3] =	sbarrier.arrive $0xFFFF  }
0x169: {  	_ =	shalt  }

</sc_bundles>
